<compile_context>
chip_gen: v7x
topology: tpu7x:2x2x1
jax: 0.10.2.dev20260603
libtpu: 0.0.44.dev20260713+nightly
codegen_flags: <defaults>
</compile_context>

<pallas_src>
import functools

import jax
import jax.numpy as jnp
from jax import lax
from jax.experimental import pallas as pl
from jax.experimental.pallas import tpu as pltpu
from jax.experimental.pallas import tpu_sc as plsc

_CHUNK = 128
_K = 6
_L = 4


def _ceil_div(a, b):
    return (a + b - 1) // b


@functools.lru_cache(maxsize=None)
def _build(n_nodes, n_edges, hidden, n_nt, n_et):
    info = plsc.get_sparse_core_info()
    nc, ns = info.num_cores, info.num_subcores
    nw = nc * ns

    assert n_edges % nw == 0 and (n_edges // nw) % 8 == 0
    e_per_w = n_edges // nw
    e_full = e_per_w // _CHUNK
    e_tail = e_per_w % _CHUNK

    n_chunks = n_nodes // _CHUNK
    n_tail = n_nodes % _CHUNK
    n_lo = n_chunks // nw
    n_extra = n_chunks % nw
    n_hi = n_lo + (1 if n_extra else 0)
    n_ld = max(n_hi * _CHUNK, 8)
    assert n_lo >= _K and e_full >= _K

    mesh = plsc.VectorSubcoreMesh(core_axis_name="c", subcore_axis_name="s")

    scratch = (
        [pltpu.VMEM((e_per_w,), jnp.int32),
         pltpu.VMEM((n_ld,), jnp.int32),
         pltpu.VMEM_SHARED((n_nt, hidden), jnp.float32),
         pltpu.VMEM_SHARED((n_et, hidden), jnp.float32)]
        + [pltpu.VMEM((_CHUNK, hidden), jnp.float32) for _ in range(_K)]
        + [pltpu.SemaphoreType.DMA for _ in range(2 * _K)]
    )

    @functools.partial(
        pl.kernel,
        mesh=mesh,
        out_type=jax.ShapeDtypeStruct((n_nodes + n_edges, hidden), jnp.float32),
        scratch_types=scratch,
    )
    def k(node_ids, edge_ids, ntab, etab, out,
          e_ids, n_ids, ntab_sp, etab_sp, *bufs_sems):
        bufs = bufs_sems[:_K]
        gsem = bufs_sems[_K:2 * _K]
        ssem = bufs_sems[2 * _K:]
        wid = lax.axis_index("s") * nc + lax.axis_index("c")

        @pl.when(lax.axis_index("s") == 0)
        def _():
            pltpu.sync_copy(ntab, ntab_sp)
            pltpu.sync_copy(etab, etab_sp)

        plsc.subcore_barrier()

        e_base = wid * e_per_w
        pltpu.sync_copy(edge_ids.at[pl.ds(e_base, e_per_w)],
                        e_ids.at[pl.ds(0, e_per_w)])
        nbase_chunk = wid * n_lo + jnp.minimum(wid, n_extra)
        nbase_ids = nbase_chunk * _CHUNK
        ld_off = jnp.minimum(nbase_ids, n_nodes - n_ld)
        pltpu.sync_copy(node_ids.at[pl.ds(ld_off, n_ld)],
                        n_ids.at[pl.ds(0, n_ld)])
        n_shift = nbase_ids - ld_off
        my_nn = jnp.where(wid < n_extra, n_hi, n_lo)

        my_n = e_full + my_nn
        n_bound = e_full + n_hi

        def start_gather(p, pb):
            @pl.when(p < e_full)
            def _():
                src = etab_sp.at[e_ids.at[pl.ds(p * _CHUNK, _CHUNK)]]
                pltpu.make_async_copy(src, bufs[pb], gsem[pb]).start()

            @pl.when(p >= e_full)
            def _():
                off = n_shift + (p - e_full) * _CHUNK
                src = ntab_sp.at[n_ids.at[pl.ds(off, _CHUNK)]]
                pltpu.make_async_copy(src, bufs[pb], gsem[pb]).start()

        def wait_gather(b):
            pltpu.make_async_copy(
                etab_sp.at[e_ids.at[pl.ds(0, _CHUNK)]],
                bufs[b], gsem[b]).wait()

        def start_scatter(i, b):
            row = jnp.where(i < e_full,
                            n_nodes + e_base + i * _CHUNK,
                            (nbase_chunk + i - e_full) * _CHUNK)
            dst = out.at[pl.ds(row, _CHUNK)]
            pltpu.make_async_copy(bufs[b], dst, ssem[b]).start()

        def wait_scatter(b):
            pltpu.make_async_copy(
                bufs[b], out.at[pl.ds(0, _CHUNK)], ssem[b]).wait()

        for b0 in range(_L):
            start_gather(b0, b0)

        def body(m, carry):
            for b in range(_K):
                i = m * _K + b
                p = i + _L
                pb = (b + _L) % _K

                @pl.when(jnp.logical_and(p < my_n, p >= _K))
                def _(pb=pb):
                    wait_scatter(pb)

                @pl.when(p < my_n)
                def _(p=p, pb=pb):
                    start_gather(p, pb)

                @pl.when(i < my_n)
                def _(i=i, b=b):
                    wait_gather(b)
                    start_scatter(i, b)

            return carry

        lax.fori_loop(0, _ceil_div(n_bound, _K), body, 0)
        for b in range(_K):
            wait_scatter(b)

        if e_tail:
            off = e_full * _CHUNK
            src = etab_sp.at[e_ids.at[pl.ds(off, e_tail)]]
            pltpu.async_copy(src, bufs[0].at[pl.ds(0, e_tail)], gsem[0]).wait()
            pltpu.sync_copy(bufs[0].at[pl.ds(0, e_tail)],
                            out.at[pl.ds(n_nodes + e_base + off, e_tail)])

        if n_tail:
            @pl.when(wid == nw - 1)
            def _():
                off = n_chunks * _CHUNK
                pltpu.sync_copy(node_ids.at[pl.ds(off, n_tail)],
                                n_ids.at[pl.ds(0, n_tail)])
                src = ntab_sp.at[n_ids.at[pl.ds(0, n_tail)]]
                pltpu.async_copy(src, bufs[0].at[pl.ds(0, n_tail)],
                                 gsem[0]).wait()
                pltpu.sync_copy(bufs[0].at[pl.ds(0, n_tail)],
                                out.at[pl.ds(off, n_tail)])

    return k


def kernel(node_type_ids, edge_type_ids, node_type_table, edge_type_table):
    n_nodes = node_type_ids.shape[0]
    n_edges = edge_type_ids.shape[0]
    hidden = node_type_table.shape[1]
    k = _build(n_nodes, n_edges, hidden,
               node_type_table.shape[0], edge_type_table.shape[0])
    return k(node_type_ids.astype(jnp.int32), edge_type_ids.astype(jnp.int32),
             node_type_table, edge_type_table)

# --- scband reference (transcript-rebuilt; emitter-appended) ---
"""Pipeline reference for scband-hetero-type-embedding-20899310863110 (READ-ONLY COPY).

The authoritative reference and input builder live on the scoring server;
editing this copy changes nothing except your own understanding.
"""

import jax, jax.numpy as jnp
import numpy as np

NUM_NODE_TYPES = 4
NUM_EDGE_TYPES = 6
HIDDEN_DIM = 128
N_NODES = 50000
N_EDGES = 800000


def setup_inputs(seed: int = 0) -> dict:
    key = jax.random.key(seed)
    k1, k2, k3, k4 = jax.random.split(key, 4)
    # Learned parameters: one embedding row per node/edge type, stacked into small tables.
    # (Each nn.Embedding(1, hidden_dim) row, stacked across the ModuleDict keys.)
    node_type_table = jax.random.normal(k1, (NUM_NODE_TYPES, HIDDEN_DIM), dtype=jnp.float32)
    edge_type_table = jax.random.normal(k2, (NUM_EDGE_TYPES, HIDDEN_DIM), dtype=jnp.float32)
    # Per-node and per-edge type ids (the graph-level usage of get_node/edge_type_embedding).
    node_type_ids = jax.random.randint(k3, (N_NODES,), 0, NUM_NODE_TYPES, dtype=jnp.int64 if jax.config.jax_enable_x64 else jnp.int32)
    edge_type_ids = jax.random.randint(k4, (N_EDGES,), 0, NUM_EDGE_TYPES, dtype=jnp.int64 if jax.config.jax_enable_x64 else jnp.int32)
    return {
        "node_type_ids": node_type_ids,
        "edge_type_ids": edge_type_ids,
        "node_type_table": node_type_table,
        "edge_type_table": edge_type_table,
    }


def reference(node_type_ids, edge_type_ids, node_type_table, edge_type_table):
    # get_node_type_embedding(t) == node_type_table[type_index_of(t)]; applied per node/edge
    # via a gather from the stacked type tables (embedding lookup).
    node_emb = jnp.take(node_type_table, node_type_ids, axis=0)  # [N_NODES, HIDDEN_DIM]
    edge_emb = jnp.take(edge_type_table, edge_type_ids, axis=0)  # [N_EDGES, HIDDEN_DIM]
    return jnp.concatenate([node_emb, edge_emb], axis=0)  # [N_NODES + N_EDGES, HIDDEN_DIM]

if __name__ == "__main__":
    import jax
    _d = setup_inputs()
    print(jax.jit(kernel)(*tuple(_d.values())))

</pallas_src>

<mosaic_0001>
#map = affine_map<(d0, d1) -> (0)>
#map1 = affine_map<(d0, d1) -> (0, 0)>
module attributes {stable_mosaic.version = 14 : i64} {
  func.func @k(%arg0: i32, %arg1: i32, %arg2: memref<50000xi32, #tpu.memory_space<hbm>>, %arg3: memref<800000xi32, #tpu.memory_space<hbm>>, %arg4: memref<4x128xf32, #tpu.memory_space<hbm>>, %arg5: memref<6x128xf32, #tpu.memory_space<hbm>>, %arg6: memref<850000x128xf32, #tpu.memory_space<hbm>>, %arg7: memref<25000xi32, #tpu.memory_space<vmem>>, %arg8: memref<1664xi32, #tpu.memory_space<vmem>>, %arg9: memref<4x128xf32, #tpu.memory_space<vmem_shared>>, %arg10: memref<6x128xf32, #tpu.memory_space<vmem_shared>>, %arg11: memref<128x128xf32, #tpu.memory_space<vmem>>, %arg12: memref<128x128xf32, #tpu.memory_space<vmem>>, %arg13: memref<128x128xf32, #tpu.memory_space<vmem>>, %arg14: memref<128x128xf32, #tpu.memory_space<vmem>>, %arg15: memref<128x128xf32, #tpu.memory_space<vmem>>, %arg16: memref<128x128xf32, #tpu.memory_space<vmem>>, %arg17: memref<!tpu.dma_semaphore, #tpu.memory_space<semaphore_mem>>, %arg18: memref<!tpu.dma_semaphore, #tpu.memory_space<semaphore_mem>>, %arg19: memref<!tpu.dma_semaphore, #tpu.memory_space<semaphore_mem>>, %arg20: memref<!tpu.dma_semaphore, #tpu.memory_space<semaphore_mem>>, %arg21: memref<!tpu.dma_semaphore, #tpu.memory_space<semaphore_mem>>, %arg22: memref<!tpu.dma_semaphore, #tpu.memory_space<semaphore_mem>>, %arg23: memref<!tpu.dma_semaphore, #tpu.memory_space<semaphore_mem>>, %arg24: memref<!tpu.dma_semaphore, #tpu.memory_space<semaphore_mem>>, %arg25: memref<!tpu.dma_semaphore, #tpu.memory_space<semaphore_mem>>, %arg26: memref<!tpu.dma_semaphore, #tpu.memory_space<semaphore_mem>>, %arg27: memref<!tpu.dma_semaphore, #tpu.memory_space<semaphore_mem>>, %arg28: memref<!tpu.dma_semaphore, #tpu.memory_space<semaphore_mem>>) attributes {dimension_semantics = [#tpu.dimension_semantics<core_parallel>, #tpu.dimension_semantics<subcore_parallel>], iteration_bounds = array<i64: 2, 16>, scalar_prefetch = 0 : i64, scratch_operands = 22 : i64, tpu.core_type = #tpu.core_type<sc_vector_subcore>, window_params = [{transform_indices = #map}, {transform_indices = #map}, {transform_indices = #map1}, {transform_indices = #map1}, {transform_indices = #map1}]} {
    %mul3A = arith.constant 2 : i32
    %mul3A_0 = arith.muli %arg1, %mul3A : i32
    %add3A = arith.addi %mul3A_0, %arg0 : i32
    %eq3A = arith.constant 0 : i32
    %eq3A_1 = arith.cmpi eq, %arg1, %eq3A : i32
    %convert_element_type3A = arith.extui %eq3A_1 : i1 to i32
    %cond3A = arith.constant 0 : i32
    %cond3A_2 = arith.cmpi ne, %convert_element_type3A, %cond3A : i32
    scf.if %cond3A_2 {
      "tpu.region"() ({
        %run_scoped3A = tpu.sem_alloc : memref<!tpu.dma_semaphore, #tpu.memory_space<semaphore_mem>>
        tpu.enqueue_dma source(%arg4 : memref<4x128xf32, #tpu.memory_space<hbm>>) target(%arg9 : memref<4x128xf32, #tpu.memory_space<vmem_shared>>) target_semaphore(%run_scoped3A : memref<!tpu.dma_semaphore, #tpu.memory_space<semaphore_mem>>)
        tpu.wait_dma2 semaphore(%run_scoped3A : memref<!tpu.dma_semaphore, #tpu.memory_space<semaphore_mem>>) src(%arg4 : memref<4x128xf32, #tpu.memory_space<hbm>>) dst(%arg9 : memref<4x128xf32, #tpu.memory_space<vmem_shared>>)
        tpu.yield
      }) : () -> ()
      "tpu.region"() ({
        %run_scoped3A = tpu.sem_alloc : memref<!tpu.dma_semaphore, #tpu.memory_space<semaphore_mem>>
        tpu.enqueue_dma source(%arg5 : memref<6x128xf32, #tpu.memory_space<hbm>>) target(%arg10 : memref<6x128xf32, #tpu.memory_space<vmem_shared>>) target_semaphore(%run_scoped3A : memref<!tpu.dma_semaphore, #tpu.memory_space<semaphore_mem>>)
        tpu.wait_dma2 semaphore(%run_scoped3A : memref<!tpu.dma_semaphore, #tpu.memory_space<semaphore_mem>>) src(%arg5 : memref<6x128xf32, #tpu.memory_space<hbm>>) dst(%arg10 : memref<6x128xf32, #tpu.memory_space<vmem_shared>>)
        tpu.yield
      }) : () -> ()
    } else {
    }
    %barrier3A = arith.constant 0 : index
    tpu.barrier barrier_id(%barrier3A)
    %mul3A_3 = arith.constant 25000 : i32
    %mul3A_4 = arith.muli %add3A, %mul3A_3 : i32
    "tpu.region"() ({
      %run_scoped3A = tpu.sem_alloc : memref<!tpu.dma_semaphore, #tpu.memory_space<semaphore_mem>>
      %dma_start3A_101 = arith.constant 0 : i32
      %dma_start3A_102 = tpu.memref_slice %arg7[%dma_start3A_101] : memref<25000xi32, #tpu.memory_space<vmem>> -> memref<25000xi32, #tpu.memory_space<vmem>>
      %dma_start3A_103 = tpu.memref_slice %arg3[%mul3A_4] : memref<800000xi32, #tpu.memory_space<hbm>> -> memref<25000xi32, #tpu.memory_space<hbm>>
      %dma_start3A_104 = arith.constant 0 : i32
      %dma_start3A_105 = tpu.memref_slice %arg7[%dma_start3A_104] : memref<25000xi32, #tpu.memory_space<vmem>> -> memref<25000xi32, #tpu.memory_space<vmem>>
      %dma_start3A_106 = tpu.memref_slice %arg3[%mul3A_4] : memref<800000xi32, #tpu.memory_space<hbm>> -> memref<25000xi32, #tpu.memory_space<hbm>>
      tpu.enqueue_dma source(%dma_start3A_106 : memref<25000xi32, #tpu.memory_space<hbm>>) target(%dma_start3A_105 : memref<25000xi32, #tpu.memory_space<vmem>>) target_semaphore(%run_scoped3A : memref<!tpu.dma_semaphore, #tpu.memory_space<semaphore_mem>>)
      %dma_wait3A_107 = arith.constant 0 : i32
      %dma_wait3A_108 = tpu.memref_slice %arg7[%dma_wait3A_107] : memref<25000xi32, #tpu.memory_space<vmem>> -> memref<25000xi32, #tpu.memory_space<vmem>>
      %dma_wait3A_109 = tpu.memref_slice %arg3[%mul3A_4] : memref<800000xi32, #tpu.memory_space<hbm>> -> memref<25000xi32, #tpu.memory_space<hbm>>
      %dma_wait3A_110 = arith.constant 0 : i32
      %dma_wait3A_111 = tpu.memref_slice %arg7[%dma_wait3A_110] : memref<25000xi32, #tpu.memory_space<vmem>> -> memref<25000xi32, #tpu.memory_space<vmem>>
      %dma_wait3A_112 = tpu.memref_slice %arg3[%mul3A_4] : memref<800000xi32, #tpu.memory_space<hbm>> -> memref<25000xi32, #tpu.memory_space<hbm>>
      tpu.wait_dma2 semaphore(%run_scoped3A : memref<!tpu.dma_semaphore, #tpu.memory_space<semaphore_mem>>) src(%dma_wait3A_112 : memref<25000xi32, #tpu.memory_space<hbm>>) dst(%dma_wait3A_111 : memref<25000xi32, #tpu.memory_space<vmem>>)
      tpu.yield
    }) : () -> ()
    %mul3A_5 = arith.constant 12 : i32
    %mul3A_6 = arith.muli %add3A, %mul3A_5 : i32
    %min3A = arith.constant 6 : i32
    %min3A_7 = arith.minsi %add3A, %min3A : i32
    %add3A_8 = arith.addi %mul3A_6, %min3A_7 : i32
    %mul3A_9 = arith.constant 128 : i32
    %mul3A_10 = arith.muli %add3A_8, %mul3A_9 : i32
    %min3A_11 = arith.constant 48336 : i32
    %min3A_12 = arith.minsi %mul3A_10, %min3A_11 : i32
    "tpu.region"() ({
      %run_scoped3A = tpu.sem_alloc : memref<!tpu.dma_semaphore, #tpu.memory_space<semaphore_mem>>
      %dma_start3A_101 = arith.constant 0 : i32
      %dma_start3A_102 = tpu.memref_slice %arg8[%dma_start3A_101] : memref<1664xi32, #tpu.memory_space<vmem>> -> memref<1664xi32, #tpu.memory_space<vmem>>
      %dma_start3A_103 = tpu.memref_slice %arg2[%min3A_12] : memref<50000xi32, #tpu.memory_space<hbm>> -> memref<1664xi32, #tpu.memory_space<hbm>>
      %dma_start3A_104 = arith.constant 0 : i32
      %dma_start3A_105 = tpu.memref_slice %arg8[%dma_start3A_104] : memref<1664xi32, #tpu.memory_space<vmem>> -> memref<1664xi32, #tpu.memory_space<vmem>>
      %dma_start3A_106 = tpu.memref_slice %arg2[%min3A_12] : memref<50000xi32, #tpu.memory_space<hbm>> -> memref<1664xi32, #tpu.memory_space<hbm>>
      tpu.enqueue_dma source(%dma_start3A_106 : memref<1664xi32, #tpu.memory_space<hbm>>) target(%dma_start3A_105 : memref<1664xi32, #tpu.memory_space<vmem>>) target_semaphore(%run_scoped3A : memref<!tpu.dma_semaphore, #tpu.memory_space<semaphore_mem>>)
      %dma_wait3A_107 = arith.constant 0 : i32
      %dma_wait3A_108 = tpu.memref_slice %arg8[%dma_wait3A_107] : memref<1664xi32, #tpu.memory_space<vmem>> -> memref<1664xi32, #tpu.memory_space<vmem>>
      %dma_wait3A_109 = tpu.memref_slice %arg2[%min3A_12] : memref<50000xi32, #tpu.memory_space<hbm>> -> memref<1664xi32, #tpu.memory_space<hbm>>
      %dma_wait3A_110 = arith.constant 0 : i32
      %dma_wait3A_111 = tpu.memref_slice %arg8[%dma_wait3A_110] : memref<1664xi32, #tpu.memory_space<vmem>> -> memref<1664xi32, #tpu.memory_space<vmem>>
      %dma_wait3A_112 = tpu.memref_slice %arg2[%min3A_12] : memref<50000xi32, #tpu.memory_space<hbm>> -> memref<1664xi32, #tpu.memory_space<hbm>>
      tpu.wait_dma2 semaphore(%run_scoped3A : memref<!tpu.dma_semaphore, #tpu.memory_space<semaphore_mem>>) src(%dma_wait3A_112 : memref<1664xi32, #tpu.memory_space<hbm>>) dst(%dma_wait3A_111 : memref<1664xi32, #tpu.memory_space<vmem>>)
      tpu.yield
    }) : () -> ()
    %sub3A = arith.subi %mul3A_10, %min3A_12 : i32
    %lt3A = arith.constant 6 : i32
    %lt3A_13 = arith.cmpi slt, %add3A, %lt3A : i32
    %jit3A = arith.constant 13 : i32
    %jit3A_14 = arith.constant 12 : i32
    %select_n3A = arith.select %lt3A_13, %jit3A, %jit3A_14 : i32
    %add3A_15 = arith.constant 195 : i32
    %add3A_16 = arith.addi %add3A_15, %select_n3A : i32
    %dma_start3A = arith.constant 0 : i32
    %dma_start3A_17 = tpu.memref_slice %arg7[%dma_start3A] : memref<25000xi32, #tpu.memory_space<vmem>> -> memref<128xi32, #tpu.memory_space<vmem>>
    %dma_start3A_18 = arith.constant 0 : i32
    %dma_start3A_19 = arith.constant 0 : i32
    %dma_start3A_20 = tpu.memref_slice %arg10[%dma_start3A_18, %dma_start3A_19] : memref<6x128xf32, #tpu.memory_space<vmem_shared>> -> memref<6x128xf32, #tpu.memory_space<vmem_shared>>
    tpu.enqueue_indirect_dma source(%dma_start3A_20 : memref<6x128xf32, #tpu.memory_space<vmem_shared>>) target(%arg11 : memref<128x128xf32, #tpu.memory_space<vmem>>) offsets(%dma_start3A_17 : memref<128xi32, #tpu.memory_space<vmem>>) semaphore(%arg17 : memref<!tpu.dma_semaphore, #tpu.memory_space<semaphore_mem>>)
    %dma_start3A_21 = arith.constant 128 : i32
    %dma_start3A_22 = tpu.memref_slice %arg7[%dma_start3A_21] : memref<25000xi32, #tpu.memory_space<vmem>> -> memref<128xi32, #tpu.memory_space<vmem>>
    %dma_start3A_23 = arith.constant 0 : i32
    %dma_start3A_24 = arith.constant 0 : i32
    %dma_start3A_25 = tpu.memref_slice %arg10[%dma_start3A_23, %dma_start3A_24] : memref<6x128xf32, #tpu.memory_space<vmem_shared>> -> memref<6x128xf32, #tpu.memory_space<vmem_shared>>
    tpu.enqueue_indirect_dma source(%dma_start3A_25 : memref<6x128xf32, #tpu.memory_space<vmem_shared>>) target(%arg12 : memref<128x128xf32, #tpu.memory_space<vmem>>) offsets(%dma_start3A_22 : memref<128xi32, #tpu.memory_space<vmem>>) semaphore(%arg18 : memref<!tpu.dma_semaphore, #tpu.memory_space<semaphore_mem>>)
    %dma_start3A_26 = arith.constant 256 : i32
    %dma_start3A_27 = tpu.memref_slice %arg7[%dma_start3A_26] : memref<25000xi32, #tpu.memory_space<vmem>> -> memref<128xi32, #tpu.memory_space<vmem>>
    %dma_start3A_28 = arith.constant 0 : i32
    %dma_start3A_29 = arith.constant 0 : i32
    %dma_start3A_30 = tpu.memref_slice %arg10[%dma_start3A_28, %dma_start3A_29] : memref<6x128xf32, #tpu.memory_space<vmem_shared>> -> memref<6x128xf32, #tpu.memory_space<vmem_shared>>
    tpu.enqueue_indirect_dma source(%dma_start3A_30 : memref<6x128xf32, #tpu.memory_space<vmem_shared>>) target(%arg13 : memref<128x128xf32, #tpu.memory_space<vmem>>) offsets(%dma_start3A_27 : memref<128xi32, #tpu.memory_space<vmem>>) semaphore(%arg19 : memref<!tpu.dma_semaphore, #tpu.memory_space<semaphore_mem>>)
    %dma_start3A_31 = arith.constant 384 : i32
    %dma_start3A_32 = tpu.memref_slice %arg7[%dma_start3A_31] : memref<25000xi32, #tpu.memory_space<vmem>> -> memref<128xi32, #tpu.memory_space<vmem>>
    %dma_start3A_33 = arith.constant 0 : i32
    %dma_start3A_34 = arith.constant 0 : i32
    %dma_start3A_35 = tpu.memref_slice %arg10[%dma_start3A_33, %dma_start3A_34] : memref<6x128xf32, #tpu.memory_space<vmem_shared>> -> memref<6x128xf32, #tpu.memory_space<vmem_shared>>
    tpu.enqueue_indirect_dma source(%dma_start3A_35 : memref<6x128xf32, #tpu.memory_space<vmem_shared>>) target(%arg14 : memref<128x128xf32, #tpu.memory_space<vmem>>) offsets(%dma_start3A_32 : memref<128xi32, #tpu.memory_space<vmem>>) semaphore(%arg20 : memref<!tpu.dma_semaphore, #tpu.memory_space<semaphore_mem>>)
    %scan3A = arith.constant 0 : i32
    %scan3A_36 = arith.constant 0 : i32
    %scan3A_37 = arith.constant 35 : i32
    %scan3A_38 = arith.addi %scan3A_36, %scan3A_37 : i32
    %scan3A_39 = arith.constant 1 : i32
    scf.for %scan3A_101 = %scan3A_36 to %scan3A_38 step %scan3A_39  : i32 {
      %mul3A_102 = arith.constant 6 : i32
      %mul3A_103 = arith.muli %scan3A_101, %mul3A_102 : i32
      %add3A_104 = arith.constant 0 : i32
      %add3A_105 = arith.addi %mul3A_103, %add3A_104 : i32
      %add3A_106 = arith.constant 4 : i32
      %add3A_107 = arith.addi %add3A_105, %add3A_106 : i32
      %lt3A_108 = arith.cmpi slt, %add3A_107, %add3A_16 : i32
      %ge3A = arith.constant 6 : i32
      %ge3A_109 = arith.cmpi sge, %add3A_107, %ge3A : i32
      %and3A = arith.andi %lt3A_108, %ge3A_109 : i1
      %convert_element_type3A_110 = arith.extui %and3A : i1 to i32
      %cond3A_111 = arith.constant 0 : i32
      %cond3A_112 = arith.cmpi ne, %convert_element_type3A_110, %cond3A_111 : i32
      scf.if %cond3A_112 {
        %dma_wait3A_226 = arith.constant 0 : i32
        %dma_wait3A_227 = arith.constant 0 : i32
        %dma_wait3A_228 = tpu.memref_slice %arg6[%dma_wait3A_226, %dma_wait3A_227] : memref<850000x128xf32, #tpu.memory_space<hbm>> -> memref<128x128xf32, #tpu.memory_space<hbm>>
        %dma_wait3A_229 = arith.constant 0 : i32
        %dma_wait3A_230 = arith.constant 0 : i32
        %dma_wait3A_231 = tpu.memref_slice %arg6[%dma_wait3A_229, %dma_wait3A_230] : memref<850000x128xf32, #tpu.memory_space<hbm>> -> memref<128x128xf32, #tpu.memory_space<hbm>>
        tpu.wait_dma2 semaphore(%arg27 : memref<!tpu.dma_semaphore, #tpu.memory_space<semaphore_mem>>) src(%arg15 : memref<128x128xf32, #tpu.memory_space<vmem>>) dst(%dma_wait3A_231 : memref<128x128xf32, #tpu.memory_space<hbm>>)
      } else {
      }
      %lt3A_113 = arith.cmpi slt, %add3A_107, %add3A_16 : i32
      %convert_element_type3A_114 = arith.extui %lt3A_113 : i1 to i32
      %cond3A_115 = arith.constant 0 : i32
      %cond3A_116 = arith.cmpi ne, %convert_element_type3A_114, %cond3A_115 : i32
      scf.if %cond3A_116 {
        %lt3A_226 = arith.constant 195 : i32
        %lt3A_227 = arith.cmpi slt, %add3A_107, %lt3A_226 : i32
        %convert_element_type3A_228 = arith.extui %lt3A_227 : i1 to i32
        %cond3A_229 = arith.constant 0 : i32
        %cond3A_230 = arith.cmpi ne, %convert_element_type3A_228, %cond3A_229 : i32
        scf.if %cond3A_230 {
          %mul3A_236 = arith.constant 128 : i32
          %mul3A_237 = arith.muli %add3A_107, %mul3A_236 : i32
          %dma_start3A_238 = tpu.memref_slice %arg7[%mul3A_237] : memref<25000xi32, #tpu.memory_space<vmem>> -> memref<128xi32, #tpu.memory_space<vmem>>
          %dma_start3A_239 = arith.constant 0 : i32
          %dma_start3A_240 = arith.constant 0 : i32
          %dma_start3A_241 = tpu.memref_slice %arg10[%dma_start3A_239, %dma_start3A_240] : memref<6x128xf32, #tpu.memory_space<vmem_shared>> -> memref<6x128xf32, #tpu.memory_space<vmem_shared>>
          tpu.enqueue_indirect_dma source(%dma_start3A_241 : memref<6x128xf32, #tpu.memory_space<vmem_shared>>) target(%arg15 : memref<128x128xf32, #tpu.memory_space<vmem>>) offsets(%dma_start3A_238 : memref<128xi32, #tpu.memory_space<vmem>>) semaphore(%arg21 : memref<!tpu.dma_semaphore, #tpu.memory_space<semaphore_mem>>)
        } else {
        }
        %ge3A_231 = arith.constant 195 : i32
        %ge3A_232 = arith.cmpi sge, %add3A_107, %ge3A_231 : i32
        %convert_element_type3A_233 = arith.extui %ge3A_232 : i1 to i32
        %cond3A_234 = arith.constant 0 : i32
        %cond3A_235 = arith.cmpi ne, %convert_element_type3A_233, %cond3A_234 : i32
        scf.if %cond3A_235 {
          %sub3A_236 = arith.constant 195 : i32
          %sub3A_237 = arith.subi %add3A_107, %sub3A_236 : i32
          %mul3A_238 = arith.constant 128 : i32
          %mul3A_239 = arith.muli %sub3A_237, %mul3A_238 : i32
          %add3A_240 = arith.addi %sub3A, %mul3A_239 : i32
          %dma_start3A_241 = tpu.memref_slice %arg8[%add3A_240] : memref<1664xi32, #tpu.memory_space<vmem>> -> memref<128xi32, #tpu.memory_space<vmem>>
          %dma_start3A_242 = arith.constant 0 : i32
          %dma_start3A_243 = arith.constant 0 : i32
          %dma_start3A_244 = tpu.memref_slice %arg9[%dma_start3A_242, %dma_start3A_243] : memref<4x128xf32, #tpu.memory_space<vmem_shared>> -> memref<4x128xf32, #tpu.memory_space<vmem_shared>>
          tpu.enqueue_indirect_dma source(%dma_start3A_244 : memref<4x128xf32, #tpu.memory_space<vmem_shared>>) target(%arg15 : memref<128x128xf32, #tpu.memory_space<vmem>>) offsets(%dma_start3A_241 : memref<128xi32, #tpu.memory_space<vmem>>) semaphore(%arg21 : memref<!tpu.dma_semaphore, #tpu.memory_space<semaphore_mem>>)
        } else {
        }
      } else {
      }
      %lt3A_117 = arith.cmpi slt, %add3A_105, %add3A_16 : i32
      %convert_element_type3A_118 = arith.extui %lt3A_117 : i1 to i32
      %cond3A_119 = arith.constant 0 : i32
      %cond3A_120 = arith.cmpi ne, %convert_element_type3A_118, %cond3A_119 : i32
      scf.if %cond3A_120 {
        %dma_wait3A_226 = arith.constant 0 : i32
        %dma_wait3A_227 = tpu.memref_slice %arg7[%dma_wait3A_226] : memref<25000xi32, #tpu.memory_space<vmem>> -> memref<128xi32, #tpu.memory_space<vmem>>
        %dma_wait3A_228 = arith.constant 0 : i32
        %dma_wait3A_229 = arith.constant 0 : i32
        %dma_wait3A_230 = tpu.memref_slice %arg10[%dma_wait3A_228, %dma_wait3A_229] : memref<6x128xf32, #tpu.memory_space<vmem_shared>> -> memref<6x128xf32, #tpu.memory_space<vmem_shared>>
        tpu.wait_indirect_dma semaphore(%arg17 : memref<!tpu.dma_semaphore, #tpu.memory_space<semaphore_mem>>) src(%dma_wait3A_230 : memref<6x128xf32, #tpu.memory_space<vmem_shared>>) dst(%arg11 : memref<128x128xf32, #tpu.memory_space<vmem>>)
        %lt3A_231 = arith.constant 195 : i32
        %lt3A_232 = arith.cmpi slt, %add3A_105, %lt3A_231 : i32
        %add3A_233 = arith.constant 50000 : i32
        %add3A_234 = arith.addi %add3A_233, %mul3A_4 : i32
        %mul3A_235 = arith.constant 128 : i32
        %mul3A_236 = arith.muli %add3A_105, %mul3A_235 : i32
        %add3A_237 = arith.addi %add3A_234, %mul3A_236 : i32
        %add3A_238 = arith.addi %add3A_8, %add3A_105 : i32
        %sub3A_239 = arith.constant 195 : i32
        %sub3A_240 = arith.subi %add3A_238, %sub3A_239 : i32
        %mul3A_241 = arith.constant 128 : i32
        %mul3A_242 = arith.muli %sub3A_240, %mul3A_241 : i32
        %select_n3A_243 = arith.select %lt3A_232, %add3A_237, %mul3A_242 : i32
        %dma_start3A_244 = arith.constant 0 : i32
        %dma_start3A_245 = tpu.memref_slice %arg6[%select_n3A_243, %dma_start3A_244] : memref<850000x128xf32, #tpu.memory_space<hbm>> -> memref<128x128xf32, #tpu.memory_space<hbm>>
        %dma_start3A_246 = arith.constant 0 : i32
        %dma_start3A_247 = tpu.memref_slice %arg6[%select_n3A_243, %dma_start3A_246] : memref<850000x128xf32, #tpu.memory_space<hbm>> -> memref<128x128xf32, #tpu.memory_space<hbm>>
        tpu.enqueue_dma source(%arg11 : memref<128x128xf32, #tpu.memory_space<vmem>>) target(%dma_start3A_247 : memref<128x128xf32, #tpu.memory_space<hbm>>) target_semaphore(%arg23 : memref<!tpu.dma_semaphore, #tpu.memory_space<semaphore_mem>>)
      } else {
      }
      %mul3A_121 = arith.constant 6 : i32
      %mul3A_122 = arith.muli %scan3A_101, %mul3A_121 : i32
      %add3A_123 = arith.constant 1 : i32
      %add3A_124 = arith.addi %mul3A_122, %add3A_123 : i32
      %add3A_125 = arith.constant 4 : i32
      %add3A_126 = arith.addi %add3A_124, %add3A_125 : i32
      %lt3A_127 = arith.cmpi slt, %add3A_126, %add3A_16 : i32
      %ge3A_128 = arith.constant 6 : i32
      %ge3A_129 = arith.cmpi sge, %add3A_126, %ge3A_128 : i32
      %and3A_130 = arith.andi %lt3A_127, %ge3A_129 : i1
      %convert_element_type3A_131 = arith.extui %and3A_130 : i1 to i32
      %cond3A_132 = arith.constant 0 : i32
      %cond3A_133 = arith.cmpi ne, %convert_element_type3A_131, %cond3A_132 : i32
      scf.if %cond3A_133 {
        %dma_wait3A_226 = arith.constant 0 : i32
        %dma_wait3A_227 = arith.constant 0 : i32
        %dma_wait3A_228 = tpu.memref_slice %arg6[%dma_wait3A_226, %dma_wait3A_227] : memref<850000x128xf32, #tpu.memory_space<hbm>> -> memref<128x128xf32, #tpu.memory_space<hbm>>
        %dma_wait3A_229 = arith.constant 0 : i32
        %dma_wait3A_230 = arith.constant 0 : i32
        %dma_wait3A_231 = tpu.memref_slice %arg6[%dma_wait3A_229, %dma_wait3A_230] : memref<850000x128xf32, #tpu.memory_space<hbm>> -> memref<128x128xf32, #tpu.memory_space<hbm>>
        tpu.wait_dma2 semaphore(%arg28 : memref<!tpu.dma_semaphore, #tpu.memory_space<semaphore_mem>>) src(%arg16 : memref<128x128xf32, #tpu.memory_space<vmem>>) dst(%dma_wait3A_231 : memref<128x128xf32, #tpu.memory_space<hbm>>)
      } else {
      }
      %lt3A_134 = arith.cmpi slt, %add3A_126, %add3A_16 : i32
      %convert_element_type3A_135 = arith.extui %lt3A_134 : i1 to i32
      %cond3A_136 = arith.constant 0 : i32
      %cond3A_137 = arith.cmpi ne, %convert_element_type3A_135, %cond3A_136 : i32
      scf.if %cond3A_137 {
        %lt3A_226 = arith.constant 195 : i32
        %lt3A_227 = arith.cmpi slt, %add3A_126, %lt3A_226 : i32
        %convert_element_type3A_228 = arith.extui %lt3A_227 : i1 to i32
        %cond3A_229 = arith.constant 0 : i32
        %cond3A_230 = arith.cmpi ne, %convert_element_type3A_228, %cond3A_229 : i32
        scf.if %cond3A_230 {
          %mul3A_236 = arith.constant 128 : i32
          %mul3A_237 = arith.muli %add3A_126, %mul3A_236 : i32
          %dma_start3A_238 = tpu.memref_slice %arg7[%mul3A_237] : memref<25000xi32, #tpu.memory_space<vmem>> -> memref<128xi32, #tpu.memory_space<vmem>>
          %dma_start3A_239 = arith.constant 0 : i32
          %dma_start3A_240 = arith.constant 0 : i32
          %dma_start3A_241 = tpu.memref_slice %arg10[%dma_start3A_239, %dma_start3A_240] : memref<6x128xf32, #tpu.memory_space<vmem_shared>> -> memref<6x128xf32, #tpu.memory_space<vmem_shared>>
          tpu.enqueue_indirect_dma source(%dma_start3A_241 : memref<6x128xf32, #tpu.memory_space<vmem_shared>>) target(%arg16 : memref<128x128xf32, #tpu.memory_space<vmem>>) offsets(%dma_start3A_238 : memref<128xi32, #tpu.memory_space<vmem>>) semaphore(%arg22 : memref<!tpu.dma_semaphore, #tpu.memory_space<semaphore_mem>>)
        } else {
        }
        %ge3A_231 = arith.constant 195 : i32
        %ge3A_232 = arith.cmpi sge, %add3A_126, %ge3A_231 : i32
        %convert_element_type3A_233 = arith.extui %ge3A_232 : i1 to i32
        %cond3A_234 = arith.constant 0 : i32
        %cond3A_235 = arith.cmpi ne, %convert_element_type3A_233, %cond3A_234 : i32
        scf.if %cond3A_235 {
          %sub3A_236 = arith.constant 195 : i32
          %sub3A_237 = arith.subi %add3A_126, %sub3A_236 : i32
          %mul3A_238 = arith.constant 128 : i32
          %mul3A_239 = arith.muli %sub3A_237, %mul3A_238 : i32
          %add3A_240 = arith.addi %sub3A, %mul3A_239 : i32
          %dma_start3A_241 = tpu.memref_slice %arg8[%add3A_240] : memref<1664xi32, #tpu.memory_space<vmem>> -> memref<128xi32, #tpu.memory_space<vmem>>
          %dma_start3A_242 = arith.constant 0 : i32
          %dma_start3A_243 = arith.constant 0 : i32
          %dma_start3A_244 = tpu.memref_slice %arg9[%dma_start3A_242, %dma_start3A_243] : memref<4x128xf32, #tpu.memory_space<vmem_shared>> -> memref<4x128xf32, #tpu.memory_space<vmem_shared>>
          tpu.enqueue_indirect_dma source(%dma_start3A_244 : memref<4x128xf32, #tpu.memory_space<vmem_shared>>) target(%arg16 : memref<128x128xf32, #tpu.memory_space<vmem>>) offsets(%dma_start3A_241 : memref<128xi32, #tpu.memory_space<vmem>>) semaphore(%arg22 : memref<!tpu.dma_semaphore, #tpu.memory_space<semaphore_mem>>)
        } else {
        }
      } else {
      }
      %lt3A_138 = arith.cmpi slt, %add3A_124, %add3A_16 : i32
      %convert_element_type3A_139 = arith.extui %lt3A_138 : i1 to i32
      %cond3A_140 = arith.constant 0 : i32
      %cond3A_141 = arith.cmpi ne, %convert_element_type3A_139, %cond3A_140 : i32
      scf.if %cond3A_141 {
        %dma_wait3A_226 = arith.constant 0 : i32
        %dma_wait3A_227 = tpu.memref_slice %arg7[%dma_wait3A_226] : memref<25000xi32, #tpu.memory_space<vmem>> -> memref<128xi32, #tpu.memory_space<vmem>>
        %dma_wait3A_228 = arith.constant 0 : i32
        %dma_wait3A_229 = arith.constant 0 : i32
        %dma_wait3A_230 = tpu.memref_slice %arg10[%dma_wait3A_228, %dma_wait3A_229] : memref<6x128xf32, #tpu.memory_space<vmem_shared>> -> memref<6x128xf32, #tpu.memory_space<vmem_shared>>
        tpu.wait_indirect_dma semaphore(%arg18 : memref<!tpu.dma_semaphore, #tpu.memory_space<semaphore_mem>>) src(%dma_wait3A_230 : memref<6x128xf32, #tpu.memory_space<vmem_shared>>) dst(%arg12 : memref<128x128xf32, #tpu.memory_space<vmem>>)
        %lt3A_231 = arith.constant 195 : i32
        %lt3A_232 = arith.cmpi slt, %add3A_124, %lt3A_231 : i32
        %add3A_233 = arith.constant 50000 : i32
        %add3A_234 = arith.addi %add3A_233, %mul3A_4 : i32
        %mul3A_235 = arith.constant 128 : i32
        %mul3A_236 = arith.muli %add3A_124, %mul3A_235 : i32
        %add3A_237 = arith.addi %add3A_234, %mul3A_236 : i32
        %add3A_238 = arith.addi %add3A_8, %add3A_124 : i32
        %sub3A_239 = arith.constant 195 : i32
        %sub3A_240 = arith.subi %add3A_238, %sub3A_239 : i32
        %mul3A_241 = arith.constant 128 : i32
        %mul3A_242 = arith.muli %sub3A_240, %mul3A_241 : i32
        %select_n3A_243 = arith.select %lt3A_232, %add3A_237, %mul3A_242 : i32
        %dma_start3A_244 = arith.constant 0 : i32
        %dma_start3A_245 = tpu.memref_slice %arg6[%select_n3A_243, %dma_start3A_244] : memref<850000x128xf32, #tpu.memory_space<hbm>> -> memref<128x128xf32, #tpu.memory_space<hbm>>
        %dma_start3A_246 = arith.constant 0 : i32
        %dma_start3A_247 = tpu.memref_slice %arg6[%select_n3A_243, %dma_start3A_246] : memref<850000x128xf32, #tpu.memory_space<hbm>> -> memref<128x128xf32, #tpu.memory_space<hbm>>
        tpu.enqueue_dma source(%arg12 : memref<128x128xf32, #tpu.memory_space<vmem>>) target(%dma_start3A_247 : memref<128x128xf32, #tpu.memory_space<hbm>>) target_semaphore(%arg24 : memref<!tpu.dma_semaphore, #tpu.memory_space<semaphore_mem>>)
      } else {
      }
      %mul3A_142 = arith.constant 6 : i32
      %mul3A_143 = arith.muli %scan3A_101, %mul3A_142 : i32
      %add3A_144 = arith.constant 2 : i32
      %add3A_145 = arith.addi %mul3A_143, %add3A_144 : i32
      %add3A_146 = arith.constant 4 : i32
      %add3A_147 = arith.addi %add3A_145, %add3A_146 : i32
      %lt3A_148 = arith.cmpi slt, %add3A_147, %add3A_16 : i32
      %ge3A_149 = arith.constant 6 : i32
      %ge3A_150 = arith.cmpi sge, %add3A_147, %ge3A_149 : i32
      %and3A_151 = arith.andi %lt3A_148, %ge3A_150 : i1
      %convert_element_type3A_152 = arith.extui %and3A_151 : i1 to i32
      %cond3A_153 = arith.constant 0 : i32
      %cond3A_154 = arith.cmpi ne, %convert_element_type3A_152, %cond3A_153 : i32
      scf.if %cond3A_154 {
        %dma_wait3A_226 = arith.constant 0 : i32
        %dma_wait3A_227 = arith.constant 0 : i32
        %dma_wait3A_228 = tpu.memref_slice %arg6[%dma_wait3A_226, %dma_wait3A_227] : memref<850000x128xf32, #tpu.memory_space<hbm>> -> memref<128x128xf32, #tpu.memory_space<hbm>>
        %dma_wait3A_229 = arith.constant 0 : i32
        %dma_wait3A_230 = arith.constant 0 : i32
        %dma_wait3A_231 = tpu.memref_slice %arg6[%dma_wait3A_229, %dma_wait3A_230] : memref<850000x128xf32, #tpu.memory_space<hbm>> -> memref<128x128xf32, #tpu.memory_space<hbm>>
        tpu.wait_dma2 semaphore(%arg23 : memref<!tpu.dma_semaphore, #tpu.memory_space<semaphore_mem>>) src(%arg11 : memref<128x128xf32, #tpu.memory_space<vmem>>) dst(%dma_wait3A_231 : memref<128x128xf32, #tpu.memory_space<hbm>>)
      } else {
      }
      %lt3A_155 = arith.cmpi slt, %add3A_147, %add3A_16 : i32
      %convert_element_type3A_156 = arith.extui %lt3A_155 : i1 to i32
      %cond3A_157 = arith.constant 0 : i32
      %cond3A_158 = arith.cmpi ne, %convert_element_type3A_156, %cond3A_157 : i32
      scf.if %cond3A_158 {
        %lt3A_226 = arith.constant 195 : i32
        %lt3A_227 = arith.cmpi slt, %add3A_147, %lt3A_226 : i32
        %convert_element_type3A_228 = arith.extui %lt3A_227 : i1 to i32
        %cond3A_229 = arith.constant 0 : i32
        %cond3A_230 = arith.cmpi ne, %convert_element_type3A_228, %cond3A_229 : i32
        scf.if %cond3A_230 {
          %mul3A_236 = arith.constant 128 : i32
          %mul3A_237 = arith.muli %add3A_147, %mul3A_236 : i32
          %dma_start3A_238 = tpu.memref_slice %arg7[%mul3A_237] : memref<25000xi32, #tpu.memory_space<vmem>> -> memref<128xi32, #tpu.memory_space<vmem>>
          %dma_start3A_239 = arith.constant 0 : i32
          %dma_start3A_240 = arith.constant 0 : i32
          %dma_start3A_241 = tpu.memref_slice %arg10[%dma_start3A_239, %dma_start3A_240] : memref<6x128xf32, #tpu.memory_space<vmem_shared>> -> memref<6x128xf32, #tpu.memory_space<vmem_shared>>
          tpu.enqueue_indirect_dma source(%dma_start3A_241 : memref<6x128xf32, #tpu.memory_space<vmem_shared>>) target(%arg11 : memref<128x128xf32, #tpu.memory_space<vmem>>) offsets(%dma_start3A_238 : memref<128xi32, #tpu.memory_space<vmem>>) semaphore(%arg17 : memref<!tpu.dma_semaphore, #tpu.memory_space<semaphore_mem>>)
        } else {
        }
        %ge3A_231 = arith.constant 195 : i32
        %ge3A_232 = arith.cmpi sge, %add3A_147, %ge3A_231 : i32
        %convert_element_type3A_233 = arith.extui %ge3A_232 : i1 to i32
        %cond3A_234 = arith.constant 0 : i32
        %cond3A_235 = arith.cmpi ne, %convert_element_type3A_233, %cond3A_234 : i32
        scf.if %cond3A_235 {
          %sub3A_236 = arith.constant 195 : i32
          %sub3A_237 = arith.subi %add3A_147, %sub3A_236 : i32
          %mul3A_238 = arith.constant 128 : i32
          %mul3A_239 = arith.muli %sub3A_237, %mul3A_238 : i32
          %add3A_240 = arith.addi %sub3A, %mul3A_239 : i32
          %dma_start3A_241 = tpu.memref_slice %arg8[%add3A_240] : memref<1664xi32, #tpu.memory_space<vmem>> -> memref<128xi32, #tpu.memory_space<vmem>>
          %dma_start3A_242 = arith.constant 0 : i32
          %dma_start3A_243 = arith.constant 0 : i32
          %dma_start3A_244 = tpu.memref_slice %arg9[%dma_start3A_242, %dma_start3A_243] : memref<4x128xf32, #tpu.memory_space<vmem_shared>> -> memref<4x128xf32, #tpu.memory_space<vmem_shared>>
          tpu.enqueue_indirect_dma source(%dma_start3A_244 : memref<4x128xf32, #tpu.memory_space<vmem_shared>>) target(%arg11 : memref<128x128xf32, #tpu.memory_space<vmem>>) offsets(%dma_start3A_241 : memref<128xi32, #tpu.memory_space<vmem>>) semaphore(%arg17 : memref<!tpu.dma_semaphore, #tpu.memory_space<semaphore_mem>>)
        } else {
        }
      } else {
      }
      %lt3A_159 = arith.cmpi slt, %add3A_145, %add3A_16 : i32
      %convert_element_type3A_160 = arith.extui %lt3A_159 : i1 to i32
      %cond3A_161 = arith.constant 0 : i32
      %cond3A_162 = arith.cmpi ne, %convert_element_type3A_160, %cond3A_161 : i32
      scf.if %cond3A_162 {
        %dma_wait3A_226 = arith.constant 0 : i32
        %dma_wait3A_227 = tpu.memref_slice %arg7[%dma_wait3A_226] : memref<25000xi32, #tpu.memory_space<vmem>> -> memref<128xi32, #tpu.memory_space<vmem>>
        %dma_wait3A_228 = arith.constant 0 : i32
        %dma_wait3A_229 = arith.constant 0 : i32
        %dma_wait3A_230 = tpu.memref_slice %arg10[%dma_wait3A_228, %dma_wait3A_229] : memref<6x128xf32, #tpu.memory_space<vmem_shared>> -> memref<6x128xf32, #tpu.memory_space<vmem_shared>>
        tpu.wait_indirect_dma semaphore(%arg19 : memref<!tpu.dma_semaphore, #tpu.memory_space<semaphore_mem>>) src(%dma_wait3A_230 : memref<6x128xf32, #tpu.memory_space<vmem_shared>>) dst(%arg13 : memref<128x128xf32, #tpu.memory_space<vmem>>)
        %lt3A_231 = arith.constant 195 : i32
        %lt3A_232 = arith.cmpi slt, %add3A_145, %lt3A_231 : i32
        %add3A_233 = arith.constant 50000 : i32
        %add3A_234 = arith.addi %add3A_233, %mul3A_4 : i32
        %mul3A_235 = arith.constant 128 : i32
        %mul3A_236 = arith.muli %add3A_145, %mul3A_235 : i32
        %add3A_237 = arith.addi %add3A_234, %mul3A_236 : i32
        %add3A_238 = arith.addi %add3A_8, %add3A_145 : i32
        %sub3A_239 = arith.constant 195 : i32
        %sub3A_240 = arith.subi %add3A_238, %sub3A_239 : i32
        %mul3A_241 = arith.constant 128 : i32
        %mul3A_242 = arith.muli %sub3A_240, %mul3A_241 : i32
        %select_n3A_243 = arith.select %lt3A_232, %add3A_237, %mul3A_242 : i32
        %dma_start3A_244 = arith.constant 0 : i32
        %dma_start3A_245 = tpu.memref_slice %arg6[%select_n3A_243, %dma_start3A_244] : memref<850000x128xf32, #tpu.memory_space<hbm>> -> memref<128x128xf32, #tpu.memory_space<hbm>>
        %dma_start3A_246 = arith.constant 0 : i32
        %dma_start3A_247 = tpu.memref_slice %arg6[%select_n3A_243, %dma_start3A_246] : memref<850000x128xf32, #tpu.memory_space<hbm>> -> memref<128x128xf32, #tpu.memory_space<hbm>>
        tpu.enqueue_dma source(%arg13 : memref<128x128xf32, #tpu.memory_space<vmem>>) target(%dma_start3A_247 : memref<128x128xf32, #tpu.memory_space<hbm>>) target_semaphore(%arg25 : memref<!tpu.dma_semaphore, #tpu.memory_space<semaphore_mem>>)
      } else {
      }
      %mul3A_163 = arith.constant 6 : i32
      %mul3A_164 = arith.muli %scan3A_101, %mul3A_163 : i32
      %add3A_165 = arith.constant 3 : i32
      %add3A_166 = arith.addi %mul3A_164, %add3A_165 : i32
      %add3A_167 = arith.constant 4 : i32
      %add3A_168 = arith.addi %add3A_166, %add3A_167 : i32
      %lt3A_169 = arith.cmpi slt, %add3A_168, %add3A_16 : i32
      %ge3A_170 = arith.constant 6 : i32
      %ge3A_171 = arith.cmpi sge, %add3A_168, %ge3A_170 : i32
      %and3A_172 = arith.andi %lt3A_169, %ge3A_171 : i1
      %convert_element_type3A_173 = arith.extui %and3A_172 : i1 to i32
      %cond3A_174 = arith.constant 0 : i32
      %cond3A_175 = arith.cmpi ne, %convert_element_type3A_173, %cond3A_174 : i32
      scf.if %cond3A_175 {
        %dma_wait3A_226 = arith.constant 0 : i32
        %dma_wait3A_227 = arith.constant 0 : i32
        %dma_wait3A_228 = tpu.memref_slice %arg6[%dma_wait3A_226, %dma_wait3A_227] : memref<850000x128xf32, #tpu.memory_space<hbm>> -> memref<128x128xf32, #tpu.memory_space<hbm>>
        %dma_wait3A_229 = arith.constant 0 : i32
        %dma_wait3A_230 = arith.constant 0 : i32
        %dma_wait3A_231 = tpu.memref_slice %arg6[%dma_wait3A_229, %dma_wait3A_230] : memref<850000x128xf32, #tpu.memory_space<hbm>> -> memref<128x128xf32, #tpu.memory_space<hbm>>
        tpu.wait_dma2 semaphore(%arg24 : memref<!tpu.dma_semaphore, #tpu.memory_space<semaphore_mem>>) src(%arg12 : memref<128x128xf32, #tpu.memory_space<vmem>>) dst(%dma_wait3A_231 : memref<128x128xf32, #tpu.memory_space<hbm>>)
      } else {
      }
      %lt3A_176 = arith.cmpi slt, %add3A_168, %add3A_16 : i32
      %convert_element_type3A_177 = arith.extui %lt3A_176 : i1 to i32
      %cond3A_178 = arith.constant 0 : i32
      %cond3A_179 = arith.cmpi ne, %convert_element_type3A_177, %cond3A_178 : i32
      scf.if %cond3A_179 {
        %lt3A_226 = arith.constant 195 : i32
        %lt3A_227 = arith.cmpi slt, %add3A_168, %lt3A_226 : i32
        %convert_element_type3A_228 = arith.extui %lt3A_227 : i1 to i32
        %cond3A_229 = arith.constant 0 : i32
        %cond3A_230 = arith.cmpi ne, %convert_element_type3A_228, %cond3A_229 : i32
        scf.if %cond3A_230 {
          %mul3A_236 = arith.constant 128 : i32
          %mul3A_237 = arith.muli %add3A_168, %mul3A_236 : i32
          %dma_start3A_238 = tpu.memref_slice %arg7[%mul3A_237] : memref<25000xi32, #tpu.memory_space<vmem>> -> memref<128xi32, #tpu.memory_space<vmem>>
          %dma_start3A_239 = arith.constant 0 : i32
          %dma_start3A_240 = arith.constant 0 : i32
          %dma_start3A_241 = tpu.memref_slice %arg10[%dma_start3A_239, %dma_start3A_240] : memref<6x128xf32, #tpu.memory_space<vmem_shared>> -> memref<6x128xf32, #tpu.memory_space<vmem_shared>>
          tpu.enqueue_indirect_dma source(%dma_start3A_241 : memref<6x128xf32, #tpu.memory_space<vmem_shared>>) target(%arg12 : memref<128x128xf32, #tpu.memory_space<vmem>>) offsets(%dma_start3A_238 : memref<128xi32, #tpu.memory_space<vmem>>) semaphore(%arg18 : memref<!tpu.dma_semaphore, #tpu.memory_space<semaphore_mem>>)
        } else {
        }
        %ge3A_231 = arith.constant 195 : i32
        %ge3A_232 = arith.cmpi sge, %add3A_168, %ge3A_231 : i32
        %convert_element_type3A_233 = arith.extui %ge3A_232 : i1 to i32
        %cond3A_234 = arith.constant 0 : i32
        %cond3A_235 = arith.cmpi ne, %convert_element_type3A_233, %cond3A_234 : i32
        scf.if %cond3A_235 {
          %sub3A_236 = arith.constant 195 : i32
          %sub3A_237 = arith.subi %add3A_168, %sub3A_236 : i32
          %mul3A_238 = arith.constant 128 : i32
          %mul3A_239 = arith.muli %sub3A_237, %mul3A_238 : i32
          %add3A_240 = arith.addi %sub3A, %mul3A_239 : i32
          %dma_start3A_241 = tpu.memref_slice %arg8[%add3A_240] : memref<1664xi32, #tpu.memory_space<vmem>> -> memref<128xi32, #tpu.memory_space<vmem>>
          %dma_start3A_242 = arith.constant 0 : i32
          %dma_start3A_243 = arith.constant 0 : i32
          %dma_start3A_244 = tpu.memref_slice %arg9[%dma_start3A_242, %dma_start3A_243] : memref<4x128xf32, #tpu.memory_space<vmem_shared>> -> memref<4x128xf32, #tpu.memory_space<vmem_shared>>
          tpu.enqueue_indirect_dma source(%dma_start3A_244 : memref<4x128xf32, #tpu.memory_space<vmem_shared>>) target(%arg12 : memref<128x128xf32, #tpu.memory_space<vmem>>) offsets(%dma_start3A_241 : memref<128xi32, #tpu.memory_space<vmem>>) semaphore(%arg18 : memref<!tpu.dma_semaphore, #tpu.memory_space<semaphore_mem>>)
        } else {
        }
      } else {
      }
      %lt3A_180 = arith.cmpi slt, %add3A_166, %add3A_16 : i32
      %convert_element_type3A_181 = arith.extui %lt3A_180 : i1 to i32
      %cond3A_182 = arith.constant 0 : i32
      %cond3A_183 = arith.cmpi ne, %convert_element_type3A_181, %cond3A_182 : i32
      scf.if %cond3A_183 {
        %dma_wait3A_226 = arith.constant 0 : i32
        %dma_wait3A_227 = tpu.memref_slice %arg7[%dma_wait3A_226] : memref<25000xi32, #tpu.memory_space<vmem>> -> memref<128xi32, #tpu.memory_space<vmem>>
        %dma_wait3A_228 = arith.constant 0 : i32
        %dma_wait3A_229 = arith.constant 0 : i32
        %dma_wait3A_230 = tpu.memref_slice %arg10[%dma_wait3A_228, %dma_wait3A_229] : memref<6x128xf32, #tpu.memory_space<vmem_shared>> -> memref<6x128xf32, #tpu.memory_space<vmem_shared>>
        tpu.wait_indirect_dma semaphore(%arg20 : memref<!tpu.dma_semaphore, #tpu.memory_space<semaphore_mem>>) src(%dma_wait3A_230 : memref<6x128xf32, #tpu.memory_space<vmem_shared>>) dst(%arg14 : memref<128x128xf32, #tpu.memory_space<vmem>>)
        %lt3A_231 = arith.constant 195 : i32
        %lt3A_232 = arith.cmpi slt, %add3A_166, %lt3A_231 : i32
        %add3A_233 = arith.constant 50000 : i32
        %add3A_234 = arith.addi %add3A_233, %mul3A_4 : i32
        %mul3A_235 = arith.constant 128 : i32
        %mul3A_236 = arith.muli %add3A_166, %mul3A_235 : i32
        %add3A_237 = arith.addi %add3A_234, %mul3A_236 : i32
        %add3A_238 = arith.addi %add3A_8, %add3A_166 : i32
        %sub3A_239 = arith.constant 195 : i32
        %sub3A_240 = arith.subi %add3A_238, %sub3A_239 : i32
        %mul3A_241 = arith.constant 128 : i32
        %mul3A_242 = arith.muli %sub3A_240, %mul3A_241 : i32
        %select_n3A_243 = arith.select %lt3A_232, %add3A_237, %mul3A_242 : i32
        %dma_start3A_244 = arith.constant 0 : i32
        %dma_start3A_245 = tpu.memref_slice %arg6[%select_n3A_243, %dma_start3A_244] : memref<850000x128xf32, #tpu.memory_space<hbm>> -> memref<128x128xf32, #tpu.memory_space<hbm>>
        %dma_start3A_246 = arith.constant 0 : i32
        %dma_start3A_247 = tpu.memref_slice %arg6[%select_n3A_243, %dma_start3A_246] : memref<850000x128xf32, #tpu.memory_space<hbm>> -> memref<128x128xf32, #tpu.memory_space<hbm>>
        tpu.enqueue_dma source(%arg14 : memref<128x128xf32, #tpu.memory_space<vmem>>) target(%dma_start3A_247 : memref<128x128xf32, #tpu.memory_space<hbm>>) target_semaphore(%arg26 : memref<!tpu.dma_semaphore, #tpu.memory_space<semaphore_mem>>)
      } else {
      }
      %mul3A_184 = arith.constant 6 : i32
      %mul3A_185 = arith.muli %scan3A_101, %mul3A_184 : i32
      %add3A_186 = arith.constant 4 : i32
      %add3A_187 = arith.addi %mul3A_185, %add3A_186 : i32
      %add3A_188 = arith.constant 4 : i32
      %add3A_189 = arith.addi %add3A_187, %add3A_188 : i32
      %lt3A_190 = arith.cmpi slt, %add3A_189, %add3A_16 : i32
      %ge3A_191 = arith.constant 6 : i32
      %ge3A_192 = arith.cmpi sge, %add3A_189, %ge3A_191 : i32
      %and3A_193 = arith.andi %lt3A_190, %ge3A_192 : i1
      %convert_element_type3A_194 = arith.extui %and3A_193 : i1 to i32
      %cond3A_195 = arith.constant 0 : i32
      %cond3A_196 = arith.cmpi ne, %convert_element_type3A_194, %cond3A_195 : i32
      scf.if %cond3A_196 {
        %dma_wait3A_226 = arith.constant 0 : i32
        %dma_wait3A_227 = arith.constant 0 : i32
        %dma_wait3A_228 = tpu.memref_slice %arg6[%dma_wait3A_226, %dma_wait3A_227] : memref<850000x128xf32, #tpu.memory_space<hbm>> -> memref<128x128xf32, #tpu.memory_space<hbm>>
        %dma_wait3A_229 = arith.constant 0 : i32
        %dma_wait3A_230 = arith.constant 0 : i32
        %dma_wait3A_231 = tpu.memref_slice %arg6[%dma_wait3A_229, %dma_wait3A_230] : memref<850000x128xf32, #tpu.memory_space<hbm>> -> memref<128x128xf32, #tpu.memory_space<hbm>>
        tpu.wait_dma2 semaphore(%arg25 : memref<!tpu.dma_semaphore, #tpu.memory_space<semaphore_mem>>) src(%arg13 : memref<128x128xf32, #tpu.memory_space<vmem>>) dst(%dma_wait3A_231 : memref<128x128xf32, #tpu.memory_space<hbm>>)
      } else {
      }
      %lt3A_197 = arith.cmpi slt, %add3A_189, %add3A_16 : i32
      %convert_element_type3A_198 = arith.extui %lt3A_197 : i1 to i32
      %cond3A_199 = arith.constant 0 : i32
      %cond3A_200 = arith.cmpi ne, %convert_element_type3A_198, %cond3A_199 : i32
      scf.if %cond3A_200 {
        %lt3A_226 = arith.constant 195 : i32
        %lt3A_227 = arith.cmpi slt, %add3A_189, %lt3A_226 : i32
        %convert_element_type3A_228 = arith.extui %lt3A_227 : i1 to i32
        %cond3A_229 = arith.constant 0 : i32
        %cond3A_230 = arith.cmpi ne, %convert_element_type3A_228, %cond3A_229 : i32
        scf.if %cond3A_230 {
          %mul3A_236 = arith.constant 128 : i32
          %mul3A_237 = arith.muli %add3A_189, %mul3A_236 : i32
          %dma_start3A_238 = tpu.memref_slice %arg7[%mul3A_237] : memref<25000xi32, #tpu.memory_space<vmem>> -> memref<128xi32, #tpu.memory_space<vmem>>
          %dma_start3A_239 = arith.constant 0 : i32
          %dma_start3A_240 = arith.constant 0 : i32
          %dma_start3A_241 = tpu.memref_slice %arg10[%dma_start3A_239, %dma_start3A_240] : memref<6x128xf32, #tpu.memory_space<vmem_shared>> -> memref<6x128xf32, #tpu.memory_space<vmem_shared>>
          tpu.enqueue_indirect_dma source(%dma_start3A_241 : memref<6x128xf32, #tpu.memory_space<vmem_shared>>) target(%arg13 : memref<128x128xf32, #tpu.memory_space<vmem>>) offsets(%dma_start3A_238 : memref<128xi32, #tpu.memory_space<vmem>>) semaphore(%arg19 : memref<!tpu.dma_semaphore, #tpu.memory_space<semaphore_mem>>)
        } else {
        }
        %ge3A_231 = arith.constant 195 : i32
        %ge3A_232 = arith.cmpi sge, %add3A_189, %ge3A_231 : i32
        %convert_element_type3A_233 = arith.extui %ge3A_232 : i1 to i32
        %cond3A_234 = arith.constant 0 : i32
        %cond3A_235 = arith.cmpi ne, %convert_element_type3A_233, %cond3A_234 : i32
        scf.if %cond3A_235 {
          %sub3A_236 = arith.constant 195 : i32
          %sub3A_237 = arith.subi %add3A_189, %sub3A_236 : i32
          %mul3A_238 = arith.constant 128 : i32
          %mul3A_239 = arith.muli %sub3A_237, %mul3A_238 : i32
          %add3A_240 = arith.addi %sub3A, %mul3A_239 : i32
          %dma_start3A_241 = tpu.memref_slice %arg8[%add3A_240] : memref<1664xi32, #tpu.memory_space<vmem>> -> memref<128xi32, #tpu.memory_space<vmem>>
          %dma_start3A_242 = arith.constant 0 : i32
          %dma_start3A_243 = arith.constant 0 : i32
          %dma_start3A_244 = tpu.memref_slice %arg9[%dma_start3A_242, %dma_start3A_243] : memref<4x128xf32, #tpu.memory_space<vmem_shared>> -> memref<4x128xf32, #tpu.memory_space<vmem_shared>>
          tpu.enqueue_indirect_dma source(%dma_start3A_244 : memref<4x128xf32, #tpu.memory_space<vmem_shared>>) target(%arg13 : memref<128x128xf32, #tpu.memory_space<vmem>>) offsets(%dma_start3A_241 : memref<128xi32, #tpu.memory_space<vmem>>) semaphore(%arg19 : memref<!tpu.dma_semaphore, #tpu.memory_space<semaphore_mem>>)
        } else {
        }
      } else {
      }
      %lt3A_201 = arith.cmpi slt, %add3A_187, %add3A_16 : i32
      %convert_element_type3A_202 = arith.extui %lt3A_201 : i1 to i32
      %cond3A_203 = arith.constant 0 : i32
      %cond3A_204 = arith.cmpi ne, %convert_element_type3A_202, %cond3A_203 : i32
      scf.if %cond3A_204 {
        %dma_wait3A_226 = arith.constant 0 : i32
        %dma_wait3A_227 = tpu.memref_slice %arg7[%dma_wait3A_226] : memref<25000xi32, #tpu.memory_space<vmem>> -> memref<128xi32, #tpu.memory_space<vmem>>
        %dma_wait3A_228 = arith.constant 0 : i32
        %dma_wait3A_229 = arith.constant 0 : i32
        %dma_wait3A_230 = tpu.memref_slice %arg10[%dma_wait3A_228, %dma_wait3A_229] : memref<6x128xf32, #tpu.memory_space<vmem_shared>> -> memref<6x128xf32, #tpu.memory_space<vmem_shared>>
        tpu.wait_indirect_dma semaphore(%arg21 : memref<!tpu.dma_semaphore, #tpu.memory_space<semaphore_mem>>) src(%dma_wait3A_230 : memref<6x128xf32, #tpu.memory_space<vmem_shared>>) dst(%arg15 : memref<128x128xf32, #tpu.memory_space<vmem>>)
        %lt3A_231 = arith.constant 195 : i32
        %lt3A_232 = arith.cmpi slt, %add3A_187, %lt3A_231 : i32
        %add3A_233 = arith.constant 50000 : i32
        %add3A_234 = arith.addi %add3A_233, %mul3A_4 : i32
        %mul3A_235 = arith.constant 128 : i32
        %mul3A_236 = arith.muli %add3A_187, %mul3A_235 : i32
        %add3A_237 = arith.addi %add3A_234, %mul3A_236 : i32
        %add3A_238 = arith.addi %add3A_8, %add3A_187 : i32
        %sub3A_239 = arith.constant 195 : i32
        %sub3A_240 = arith.subi %add3A_238, %sub3A_239 : i32
        %mul3A_241 = arith.constant 128 : i32
        %mul3A_242 = arith.muli %sub3A_240, %mul3A_241 : i32
        %select_n3A_243 = arith.select %lt3A_232, %add3A_237, %mul3A_242 : i32
        %dma_start3A_244 = arith.constant 0 : i32
        %dma_start3A_245 = tpu.memref_slice %arg6[%select_n3A_243, %dma_start3A_244] : memref<850000x128xf32, #tpu.memory_space<hbm>> -> memref<128x128xf32, #tpu.memory_space<hbm>>
        %dma_start3A_246 = arith.constant 0 : i32
        %dma_start3A_247 = tpu.memref_slice %arg6[%select_n3A_243, %dma_start3A_246] : memref<850000x128xf32, #tpu.memory_space<hbm>> -> memref<128x128xf32, #tpu.memory_space<hbm>>
        tpu.enqueue_dma source(%arg15 : memref<128x128xf32, #tpu.memory_space<vmem>>) target(%dma_start3A_247 : memref<128x128xf32, #tpu.memory_space<hbm>>) target_semaphore(%arg27 : memref<!tpu.dma_semaphore, #tpu.memory_space<semaphore_mem>>)
      } else {
      }
      %mul3A_205 = arith.constant 6 : i32
      %mul3A_206 = arith.muli %scan3A_101, %mul3A_205 : i32
      %add3A_207 = arith.constant 5 : i32
      %add3A_208 = arith.addi %mul3A_206, %add3A_207 : i32
      %add3A_209 = arith.constant 4 : i32
      %add3A_210 = arith.addi %add3A_208, %add3A_209 : i32
      %lt3A_211 = arith.cmpi slt, %add3A_210, %add3A_16 : i32
      %ge3A_212 = arith.constant 6 : i32
      %ge3A_213 = arith.cmpi sge, %add3A_210, %ge3A_212 : i32
      %and3A_214 = arith.andi %lt3A_211, %ge3A_213 : i1
      %convert_element_type3A_215 = arith.extui %and3A_214 : i1 to i32
      %cond3A_216 = arith.constant 0 : i32
      %cond3A_217 = arith.cmpi ne, %convert_element_type3A_215, %cond3A_216 : i32
      scf.if %cond3A_217 {
        %dma_wait3A_226 = arith.constant 0 : i32
        %dma_wait3A_227 = arith.constant 0 : i32
        %dma_wait3A_228 = tpu.memref_slice %arg6[%dma_wait3A_226, %dma_wait3A_227] : memref<850000x128xf32, #tpu.memory_space<hbm>> -> memref<128x128xf32, #tpu.memory_space<hbm>>
        %dma_wait3A_229 = arith.constant 0 : i32
        %dma_wait3A_230 = arith.constant 0 : i32
        %dma_wait3A_231 = tpu.memref_slice %arg6[%dma_wait3A_229, %dma_wait3A_230] : memref<850000x128xf32, #tpu.memory_space<hbm>> -> memref<128x128xf32, #tpu.memory_space<hbm>>
        tpu.wait_dma2 semaphore(%arg26 : memref<!tpu.dma_semaphore, #tpu.memory_space<semaphore_mem>>) src(%arg14 : memref<128x128xf32, #tpu.memory_space<vmem>>) dst(%dma_wait3A_231 : memref<128x128xf32, #tpu.memory_space<hbm>>)
      } else {
      }
      %lt3A_218 = arith.cmpi slt, %add3A_210, %add3A_16 : i32
      %convert_element_type3A_219 = arith.extui %lt3A_218 : i1 to i32
      %cond3A_220 = arith.constant 0 : i32
      %cond3A_221 = arith.cmpi ne, %convert_element_type3A_219, %cond3A_220 : i32
      scf.if %cond3A_221 {
        %lt3A_226 = arith.constant 195 : i32
        %lt3A_227 = arith.cmpi slt, %add3A_210, %lt3A_226 : i32
        %convert_element_type3A_228 = arith.extui %lt3A_227 : i1 to i32
        %cond3A_229 = arith.constant 0 : i32
        %cond3A_230 = arith.cmpi ne, %convert_element_type3A_228, %cond3A_229 : i32
        scf.if %cond3A_230 {
          %mul3A_236 = arith.constant 128 : i32
          %mul3A_237 = arith.muli %add3A_210, %mul3A_236 : i32
          %dma_start3A_238 = tpu.memref_slice %arg7[%mul3A_237] : memref<25000xi32, #tpu.memory_space<vmem>> -> memref<128xi32, #tpu.memory_space<vmem>>
          %dma_start3A_239 = arith.constant 0 : i32
          %dma_start3A_240 = arith.constant 0 : i32
          %dma_start3A_241 = tpu.memref_slice %arg10[%dma_start3A_239, %dma_start3A_240] : memref<6x128xf32, #tpu.memory_space<vmem_shared>> -> memref<6x128xf32, #tpu.memory_space<vmem_shared>>
          tpu.enqueue_indirect_dma source(%dma_start3A_241 : memref<6x128xf32, #tpu.memory_space<vmem_shared>>) target(%arg14 : memref<128x128xf32, #tpu.memory_space<vmem>>) offsets(%dma_start3A_238 : memref<128xi32, #tpu.memory_space<vmem>>) semaphore(%arg20 : memref<!tpu.dma_semaphore, #tpu.memory_space<semaphore_mem>>)
        } else {
        }
        %ge3A_231 = arith.constant 195 : i32
        %ge3A_232 = arith.cmpi sge, %add3A_210, %ge3A_231 : i32
        %convert_element_type3A_233 = arith.extui %ge3A_232 : i1 to i32
        %cond3A_234 = arith.constant 0 : i32
        %cond3A_235 = arith.cmpi ne, %convert_element_type3A_233, %cond3A_234 : i32
        scf.if %cond3A_235 {
          %sub3A_236 = arith.constant 195 : i32
          %sub3A_237 = arith.subi %add3A_210, %sub3A_236 : i32
          %mul3A_238 = arith.constant 128 : i32
          %mul3A_239 = arith.muli %sub3A_237, %mul3A_238 : i32
          %add3A_240 = arith.addi %sub3A, %mul3A_239 : i32
          %dma_start3A_241 = tpu.memref_slice %arg8[%add3A_240] : memref<1664xi32, #tpu.memory_space<vmem>> -> memref<128xi32, #tpu.memory_space<vmem>>
          %dma_start3A_242 = arith.constant 0 : i32
          %dma_start3A_243 = arith.constant 0 : i32
          %dma_start3A_244 = tpu.memref_slice %arg9[%dma_start3A_242, %dma_start3A_243] : memref<4x128xf32, #tpu.memory_space<vmem_shared>> -> memref<4x128xf32, #tpu.memory_space<vmem_shared>>
          tpu.enqueue_indirect_dma source(%dma_start3A_244 : memref<4x128xf32, #tpu.memory_space<vmem_shared>>) target(%arg14 : memref<128x128xf32, #tpu.memory_space<vmem>>) offsets(%dma_start3A_241 : memref<128xi32, #tpu.memory_space<vmem>>) semaphore(%arg20 : memref<!tpu.dma_semaphore, #tpu.memory_space<semaphore_mem>>)
        } else {
        }
      } else {
      }
      %lt3A_222 = arith.cmpi slt, %add3A_208, %add3A_16 : i32
      %convert_element_type3A_223 = arith.extui %lt3A_222 : i1 to i32
      %cond3A_224 = arith.constant 0 : i32
      %cond3A_225 = arith.cmpi ne, %convert_element_type3A_223, %cond3A_224 : i32
      scf.if %cond3A_225 {
        %dma_wait3A_226 = arith.constant 0 : i32
        %dma_wait3A_227 = tpu.memref_slice %arg7[%dma_wait3A_226] : memref<25000xi32, #tpu.memory_space<vmem>> -> memref<128xi32, #tpu.memory_space<vmem>>
        %dma_wait3A_228 = arith.constant 0 : i32
        %dma_wait3A_229 = arith.constant 0 : i32
        %dma_wait3A_230 = tpu.memref_slice %arg10[%dma_wait3A_228, %dma_wait3A_229] : memref<6x128xf32, #tpu.memory_space<vmem_shared>> -> memref<6x128xf32, #tpu.memory_space<vmem_shared>>
        tpu.wait_indirect_dma semaphore(%arg22 : memref<!tpu.dma_semaphore, #tpu.memory_space<semaphore_mem>>) src(%dma_wait3A_230 : memref<6x128xf32, #tpu.memory_space<vmem_shared>>) dst(%arg16 : memref<128x128xf32, #tpu.memory_space<vmem>>)
        %lt3A_231 = arith.constant 195 : i32
        %lt3A_232 = arith.cmpi slt, %add3A_208, %lt3A_231 : i32
        %add3A_233 = arith.constant 50000 : i32
        %add3A_234 = arith.addi %add3A_233, %mul3A_4 : i32
        %mul3A_235 = arith.constant 128 : i32
        %mul3A_236 = arith.muli %add3A_208, %mul3A_235 : i32
        %add3A_237 = arith.addi %add3A_234, %mul3A_236 : i32
        %add3A_238 = arith.addi %add3A_8, %add3A_208 : i32
        %sub3A_239 = arith.constant 195 : i32
        %sub3A_240 = arith.subi %add3A_238, %sub3A_239 : i32
        %mul3A_241 = arith.constant 128 : i32
        %mul3A_242 = arith.muli %sub3A_240, %mul3A_241 : i32
        %select_n3A_243 = arith.select %lt3A_232, %add3A_237, %mul3A_242 : i32
        %dma_start3A_244 = arith.constant 0 : i32
        %dma_start3A_245 = tpu.memref_slice %arg6[%select_n3A_243, %dma_start3A_244] : memref<850000x128xf32, #tpu.memory_space<hbm>> -> memref<128x128xf32, #tpu.memory_space<hbm>>
        %dma_start3A_246 = arith.constant 0 : i32
        %dma_start3A_247 = tpu.memref_slice %arg6[%select_n3A_243, %dma_start3A_246] : memref<850000x128xf32, #tpu.memory_space<hbm>> -> memref<128x128xf32, #tpu.memory_space<hbm>>
        tpu.enqueue_dma source(%arg16 : memref<128x128xf32, #tpu.memory_space<vmem>>) target(%dma_start3A_247 : memref<128x128xf32, #tpu.memory_space<hbm>>) target_semaphore(%arg28 : memref<!tpu.dma_semaphore, #tpu.memory_space<semaphore_mem>>)
      } else {
      }
    }
    %scan3A_40 = arith.constant 35 : i32
    %dma_wait3A = arith.constant 0 : i32
    %dma_wait3A_41 = arith.constant 0 : i32
    %dma_wait3A_42 = tpu.memref_slice %arg6[%dma_wait3A, %dma_wait3A_41] : memref<850000x128xf32, #tpu.memory_space<hbm>> -> memref<128x128xf32, #tpu.memory_space<hbm>>
    %dma_wait3A_43 = arith.constant 0 : i32
    %dma_wait3A_44 = arith.constant 0 : i32
    %dma_wait3A_45 = tpu.memref_slice %arg6[%dma_wait3A_43, %dma_wait3A_44] : memref<850000x128xf32, #tpu.memory_space<hbm>> -> memref<128x128xf32, #tpu.memory_space<hbm>>
    tpu.wait_dma2 semaphore(%arg23 : memref<!tpu.dma_semaphore, #tpu.memory_space<semaphore_mem>>) src(%arg11 : memref<128x128xf32, #tpu.memory_space<vmem>>) dst(%dma_wait3A_45 : memref<128x128xf32, #tpu.memory_space<hbm>>)
    %dma_wait3A_46 = arith.constant 0 : i32
    %dma_wait3A_47 = arith.constant 0 : i32
    %dma_wait3A_48 = tpu.memref_slice %arg6[%dma_wait3A_46, %dma_wait3A_47] : memref<850000x128xf32, #tpu.memory_space<hbm>> -> memref<128x128xf32, #tpu.memory_space<hbm>>
    %dma_wait3A_49 = arith.constant 0 : i32
    %dma_wait3A_50 = arith.constant 0 : i32
    %dma_wait3A_51 = tpu.memref_slice %arg6[%dma_wait3A_49, %dma_wait3A_50] : memref<850000x128xf32, #tpu.memory_space<hbm>> -> memref<128x128xf32, #tpu.memory_space<hbm>>
    tpu.wait_dma2 semaphore(%arg24 : memref<!tpu.dma_semaphore, #tpu.memory_space<semaphore_mem>>) src(%arg12 : memref<128x128xf32, #tpu.memory_space<vmem>>) dst(%dma_wait3A_51 : memref<128x128xf32, #tpu.memory_space<hbm>>)
    %dma_wait3A_52 = arith.constant 0 : i32
    %dma_wait3A_53 = arith.constant 0 : i32
    %dma_wait3A_54 = tpu.memref_slice %arg6[%dma_wait3A_52, %dma_wait3A_53] : memref<850000x128xf32, #tpu.memory_space<hbm>> -> memref<128x128xf32, #tpu.memory_space<hbm>>
    %dma_wait3A_55 = arith.constant 0 : i32
    %dma_wait3A_56 = arith.constant 0 : i32
    %dma_wait3A_57 = tpu.memref_slice %arg6[%dma_wait3A_55, %dma_wait3A_56] : memref<850000x128xf32, #tpu.memory_space<hbm>> -> memref<128x128xf32, #tpu.memory_space<hbm>>
    tpu.wait_dma2 semaphore(%arg25 : memref<!tpu.dma_semaphore, #tpu.memory_space<semaphore_mem>>) src(%arg13 : memref<128x128xf32, #tpu.memory_space<vmem>>) dst(%dma_wait3A_57 : memref<128x128xf32, #tpu.memory_space<hbm>>)
    %dma_wait3A_58 = arith.constant 0 : i32
    %dma_wait3A_59 = arith.constant 0 : i32
    %dma_wait3A_60 = tpu.memref_slice %arg6[%dma_wait3A_58, %dma_wait3A_59] : memref<850000x128xf32, #tpu.memory_space<hbm>> -> memref<128x128xf32, #tpu.memory_space<hbm>>
    %dma_wait3A_61 = arith.constant 0 : i32
    %dma_wait3A_62 = arith.constant 0 : i32
    %dma_wait3A_63 = tpu.memref_slice %arg6[%dma_wait3A_61, %dma_wait3A_62] : memref<850000x128xf32, #tpu.memory_space<hbm>> -> memref<128x128xf32, #tpu.memory_space<hbm>>
    tpu.wait_dma2 semaphore(%arg26 : memref<!tpu.dma_semaphore, #tpu.memory_space<semaphore_mem>>) src(%arg14 : memref<128x128xf32, #tpu.memory_space<vmem>>) dst(%dma_wait3A_63 : memref<128x128xf32, #tpu.memory_space<hbm>>)
    %dma_wait3A_64 = arith.constant 0 : i32
    %dma_wait3A_65 = arith.constant 0 : i32
    %dma_wait3A_66 = tpu.memref_slice %arg6[%dma_wait3A_64, %dma_wait3A_65] : memref<850000x128xf32, #tpu.memory_space<hbm>> -> memref<128x128xf32, #tpu.memory_space<hbm>>
    %dma_wait3A_67 = arith.constant 0 : i32
    %dma_wait3A_68 = arith.constant 0 : i32
    %dma_wait3A_69 = tpu.memref_slice %arg6[%dma_wait3A_67, %dma_wait3A_68] : memref<850000x128xf32, #tpu.memory_space<hbm>> -> memref<128x128xf32, #tpu.memory_space<hbm>>
    tpu.wait_dma2 semaphore(%arg27 : memref<!tpu.dma_semaphore, #tpu.memory_space<semaphore_mem>>) src(%arg15 : memref<128x128xf32, #tpu.memory_space<vmem>>) dst(%dma_wait3A_69 : memref<128x128xf32, #tpu.memory_space<hbm>>)
    %dma_wait3A_70 = arith.constant 0 : i32
    %dma_wait3A_71 = arith.constant 0 : i32
    %dma_wait3A_72 = tpu.memref_slice %arg6[%dma_wait3A_70, %dma_wait3A_71] : memref<850000x128xf32, #tpu.memory_space<hbm>> -> memref<128x128xf32, #tpu.memory_space<hbm>>
    %dma_wait3A_73 = arith.constant 0 : i32
    %dma_wait3A_74 = arith.constant 0 : i32
    %dma_wait3A_75 = tpu.memref_slice %arg6[%dma_wait3A_73, %dma_wait3A_74] : memref<850000x128xf32, #tpu.memory_space<hbm>> -> memref<128x128xf32, #tpu.memory_space<hbm>>
    tpu.wait_dma2 semaphore(%arg28 : memref<!tpu.dma_semaphore, #tpu.memory_space<semaphore_mem>>) src(%arg16 : memref<128x128xf32, #tpu.memory_space<vmem>>) dst(%dma_wait3A_75 : memref<128x128xf32, #tpu.memory_space<hbm>>)
    %dma_start3A_76 = arith.constant 0 : i32
    %dma_start3A_77 = arith.constant 0 : i32
    %dma_start3A_78 = tpu.memref_slice %arg11[%dma_start3A_76, %dma_start3A_77] : memref<128x128xf32, #tpu.memory_space<vmem>> -> memref<40x128xf32, #tpu.memory_space<vmem>>
    %dma_start3A_79 = arith.constant 24960 : i32
    %dma_start3A_80 = tpu.memref_slice %arg7[%dma_start3A_79] : memref<25000xi32, #tpu.memory_space<vmem>> -> memref<40xi32, #tpu.memory_space<vmem>>
    %dma_start3A_81 = arith.constant 0 : i32
    %dma_start3A_82 = arith.constant 0 : i32
    %dma_start3A_83 = tpu.memref_slice %arg10[%dma_start3A_81, %dma_start3A_82] : memref<6x128xf32, #tpu.memory_space<vmem_shared>> -> memref<6x128xf32, #tpu.memory_space<vmem_shared>>
    tpu.enqueue_indirect_dma source(%dma_start3A_83 : memref<6x128xf32, #tpu.memory_space<vmem_shared>>) target(%dma_start3A_78 : memref<40x128xf32, #tpu.memory_space<vmem>>) offsets(%dma_start3A_80 : memref<40xi32, #tpu.memory_space<vmem>>) semaphore(%arg17 : memref<!tpu.dma_semaphore, #tpu.memory_space<semaphore_mem>>)
    %dma_wait3A_84 = arith.constant 0 : i32
    %dma_wait3A_85 = arith.constant 0 : i32
    %dma_wait3A_86 = tpu.memref_slice %arg11[%dma_wait3A_84, %dma_wait3A_85] : memref<128x128xf32, #tpu.memory_space<vmem>> -> memref<40x128xf32, #tpu.memory_space<vmem>>
    %dma_wait3A_87 = arith.constant 24960 : i32
    %dma_wait3A_88 = tpu.memref_slice %arg7[%dma_wait3A_87] : memref<25000xi32, #tpu.memory_space<vmem>> -> memref<40xi32, #tpu.memory_space<vmem>>
    %dma_wait3A_89 = arith.constant 0 : i32
    %dma_wait3A_90 = arith.constant 0 : i32
    %dma_wait3A_91 = tpu.memref_slice %arg10[%dma_wait3A_89, %dma_wait3A_90] : memref<6x128xf32, #tpu.memory_space<vmem_shared>> -> memref<6x128xf32, #tpu.memory_space<vmem_shared>>
    tpu.wait_indirect_dma semaphore(%arg17 : memref<!tpu.dma_semaphore, #tpu.memory_space<semaphore_mem>>) src(%dma_wait3A_91 : memref<6x128xf32, #tpu.memory_space<vmem_shared>>) dst(%dma_wait3A_86 : memref<40x128xf32, #tpu.memory_space<vmem>>)
    %add3A_92 = arith.constant 50000 : i32
    %add3A_93 = arith.addi %add3A_92, %mul3A_4 : i32
    %add3A_94 = arith.constant 24960 : i32
    %add3A_95 = arith.addi %add3A_93, %add3A_94 : i32
    "tpu.region"() ({
      %run_scoped3A = tpu.sem_alloc : memref<!tpu.dma_semaphore, #tpu.memory_space<semaphore_mem>>
      %dma_start3A_101 = arith.constant 0 : i32
      %dma_start3A_102 = arith.constant 0 : i32
      %dma_start3A_103 = tpu.memref_slice %arg11[%dma_start3A_101, %dma_start3A_102] : memref<128x128xf32, #tpu.memory_space<vmem>> -> memref<40x128xf32, #tpu.memory_space<vmem>>
      %dma_start3A_104 = arith.constant 0 : i32
      %dma_start3A_105 = tpu.memref_slice %arg6[%add3A_95, %dma_start3A_104] : memref<850000x128xf32, #tpu.memory_space<hbm>> -> memref<40x128xf32, #tpu.memory_space<hbm>>
      %dma_start3A_106 = arith.constant 0 : i32
      %dma_start3A_107 = tpu.memref_slice %arg6[%add3A_95, %dma_start3A_106] : memref<850000x128xf32, #tpu.memory_space<hbm>> -> memref<40x128xf32, #tpu.memory_space<hbm>>
      %dma_start3A_108 = arith.constant 0 : i32
      %dma_start3A_109 = arith.constant 0 : i32
      %dma_start3A_110 = tpu.memref_slice %arg11[%dma_start3A_108, %dma_start3A_109] : memref<128x128xf32, #tpu.memory_space<vmem>> -> memref<40x128xf32, #tpu.memory_space<vmem>>
      tpu.enqueue_dma source(%dma_start3A_110 : memref<40x128xf32, #tpu.memory_space<vmem>>) target(%dma_start3A_107 : memref<40x128xf32, #tpu.memory_space<hbm>>) target_semaphore(%run_scoped3A : memref<!tpu.dma_semaphore, #tpu.memory_space<semaphore_mem>>)
      %dma_wait3A_111 = arith.constant 0 : i32
      %dma_wait3A_112 = arith.constant 0 : i32
      %dma_wait3A_113 = tpu.memref_slice %arg11[%dma_wait3A_111, %dma_wait3A_112] : memref<128x128xf32, #tpu.memory_space<vmem>> -> memref<40x128xf32, #tpu.memory_space<vmem>>
      %dma_wait3A_114 = arith.constant 0 : i32
      %dma_wait3A_115 = tpu.memref_slice %arg6[%add3A_95, %dma_wait3A_114] : memref<850000x128xf32, #tpu.memory_space<hbm>> -> memref<40x128xf32, #tpu.memory_space<hbm>>
      %dma_wait3A_116 = arith.constant 0 : i32
      %dma_wait3A_117 = tpu.memref_slice %arg6[%add3A_95, %dma_wait3A_116] : memref<850000x128xf32, #tpu.memory_space<hbm>> -> memref<40x128xf32, #tpu.memory_space<hbm>>
      %dma_wait3A_118 = arith.constant 0 : i32
      %dma_wait3A_119 = arith.constant 0 : i32
      %dma_wait3A_120 = tpu.memref_slice %arg11[%dma_wait3A_118, %dma_wait3A_119] : memref<128x128xf32, #tpu.memory_space<vmem>> -> memref<40x128xf32, #tpu.memory_space<vmem>>
      tpu.wait_dma2 semaphore(%run_scoped3A : memref<!tpu.dma_semaphore, #tpu.memory_space<semaphore_mem>>) src(%dma_wait3A_120 : memref<40x128xf32, #tpu.memory_space<vmem>>) dst(%dma_wait3A_117 : memref<40x128xf32, #tpu.memory_space<hbm>>)
      tpu.yield
    }) : () -> ()
    %eq3A_96 = arith.constant 31 : i32
    %eq3A_97 = arith.cmpi eq, %add3A, %eq3A_96 : i32
    %convert_element_type3A_98 = arith.extui %eq3A_97 : i1 to i32
    %cond3A_99 = arith.constant 0 : i32
    %cond3A_100 = arith.cmpi ne, %convert_element_type3A_98, %cond3A_99 : i32
    scf.if %cond3A_100 {
      "tpu.region"() ({
        %run_scoped3A = tpu.sem_alloc : memref<!tpu.dma_semaphore, #tpu.memory_space<semaphore_mem>>
        %dma_start3A_117 = arith.constant 0 : i32
        %dma_start3A_118 = tpu.memref_slice %arg8[%dma_start3A_117] : memref<1664xi32, #tpu.memory_space<vmem>> -> memref<80xi32, #tpu.memory_space<vmem>>
        %dma_start3A_119 = arith.constant 49920 : i32
        %dma_start3A_120 = tpu.memref_slice %arg2[%dma_start3A_119] : memref<50000xi32, #tpu.memory_space<hbm>> -> memref<80xi32, #tpu.memory_space<hbm>>
        %dma_start3A_121 = arith.constant 0 : i32
        %dma_start3A_122 = tpu.memref_slice %arg8[%dma_start3A_121] : memref<1664xi32, #tpu.memory_space<vmem>> -> memref<80xi32, #tpu.memory_space<vmem>>
        %dma_start3A_123 = arith.constant 49920 : i32
        %dma_start3A_124 = tpu.memref_slice %arg2[%dma_start3A_123] : memref<50000xi32, #tpu.memory_space<hbm>> -> memref<80xi32, #tpu.memory_space<hbm>>
        tpu.enqueue_dma source(%dma_start3A_124 : memref<80xi32, #tpu.memory_space<hbm>>) target(%dma_start3A_122 : memref<80xi32, #tpu.memory_space<vmem>>) target_semaphore(%run_scoped3A : memref<!tpu.dma_semaphore, #tpu.memory_space<semaphore_mem>>)
        %dma_wait3A_125 = arith.constant 0 : i32
        %dma_wait3A_126 = tpu.memref_slice %arg8[%dma_wait3A_125] : memref<1664xi32, #tpu.memory_space<vmem>> -> memref<80xi32, #tpu.memory_space<vmem>>
        %dma_wait3A_127 = arith.constant 49920 : i32
        %dma_wait3A_128 = tpu.memref_slice %arg2[%dma_wait3A_127] : memref<50000xi32, #tpu.memory_space<hbm>> -> memref<80xi32, #tpu.memory_space<hbm>>
        %dma_wait3A_129 = arith.constant 0 : i32
        %dma_wait3A_130 = tpu.memref_slice %arg8[%dma_wait3A_129] : memref<1664xi32, #tpu.memory_space<vmem>> -> memref<80xi32, #tpu.memory_space<vmem>>
        %dma_wait3A_131 = arith.constant 49920 : i32
        %dma_wait3A_132 = tpu.memref_slice %arg2[%dma_wait3A_131] : memref<50000xi32, #tpu.memory_space<hbm>> -> memref<80xi32, #tpu.memory_space<hbm>>
        tpu.wait_dma2 semaphore(%run_scoped3A : memref<!tpu.dma_semaphore, #tpu.memory_space<semaphore_mem>>) src(%dma_wait3A_132 : memref<80xi32, #tpu.memory_space<hbm>>) dst(%dma_wait3A_130 : memref<80xi32, #tpu.memory_space<vmem>>)
        tpu.yield
      }) : () -> ()
      %dma_start3A_101 = arith.constant 0 : i32
      %dma_start3A_102 = arith.constant 0 : i32
      %dma_start3A_103 = tpu.memref_slice %arg11[%dma_start3A_101, %dma_start3A_102] : memref<128x128xf32, #tpu.memory_space<vmem>> -> memref<80x128xf32, #tpu.memory_space<vmem>>
      %dma_start3A_104 = arith.constant 0 : i32
      %dma_start3A_105 = tpu.memref_slice %arg8[%dma_start3A_104] : memref<1664xi32, #tpu.memory_space<vmem>> -> memref<80xi32, #tpu.memory_space<vmem>>
      %dma_start3A_106 = arith.constant 0 : i32
      %dma_start3A_107 = arith.constant 0 : i32
      %dma_start3A_108 = tpu.memref_slice %arg9[%dma_start3A_106, %dma_start3A_107] : memref<4x128xf32, #tpu.memory_space<vmem_shared>> -> memref<4x128xf32, #tpu.memory_space<vmem_shared>>
      tpu.enqueue_indirect_dma source(%dma_start3A_108 : memref<4x128xf32, #tpu.memory_space<vmem_shared>>) target(%dma_start3A_103 : memref<80x128xf32, #tpu.memory_space<vmem>>) offsets(%dma_start3A_105 : memref<80xi32, #tpu.memory_space<vmem>>) semaphore(%arg17 : memref<!tpu.dma_semaphore, #tpu.memory_space<semaphore_mem>>)
      %dma_wait3A_109 = arith.constant 0 : i32
      %dma_wait3A_110 = arith.constant 0 : i32
      %dma_wait3A_111 = tpu.memref_slice %arg11[%dma_wait3A_109, %dma_wait3A_110] : memref<128x128xf32, #tpu.memory_space<vmem>> -> memref<80x128xf32, #tpu.memory_space<vmem>>
      %dma_wait3A_112 = arith.constant 0 : i32
      %dma_wait3A_113 = tpu.memref_slice %arg8[%dma_wait3A_112] : memref<1664xi32, #tpu.memory_space<vmem>> -> memref<80xi32, #tpu.memory_space<vmem>>
      %dma_wait3A_114 = arith.constant 0 : i32
      %dma_wait3A_115 = arith.constant 0 : i32
      %dma_wait3A_116 = tpu.memref_slice %arg9[%dma_wait3A_114, %dma_wait3A_115] : memref<4x128xf32, #tpu.memory_space<vmem_shared>> -> memref<4x128xf32, #tpu.memory_space<vmem_shared>>
      tpu.wait_indirect_dma semaphore(%arg17 : memref<!tpu.dma_semaphore, #tpu.memory_space<semaphore_mem>>) src(%dma_wait3A_116 : memref<4x128xf32, #tpu.memory_space<vmem_shared>>) dst(%dma_wait3A_111 : memref<80x128xf32, #tpu.memory_space<vmem>>)
      "tpu.region"() ({
        %run_scoped3A = tpu.sem_alloc : memref<!tpu.dma_semaphore, #tpu.memory_space<semaphore_mem>>
        %dma_start3A_117 = arith.constant 0 : i32
        %dma_start3A_118 = arith.constant 0 : i32
        %dma_start3A_119 = tpu.memref_slice %arg11[%dma_start3A_117, %dma_start3A_118] : memref<128x128xf32, #tpu.memory_space<vmem>> -> memref<80x128xf32, #tpu.memory_space<vmem>>
        %dma_start3A_120 = arith.constant 49920 : i32
        %dma_start3A_121 = arith.constant 0 : i32
        %dma_start3A_122 = tpu.memref_slice %arg6[%dma_start3A_120, %dma_start3A_121] : memref<850000x128xf32, #tpu.memory_space<hbm>> -> memref<80x128xf32, #tpu.memory_space<hbm>>
        %dma_start3A_123 = arith.constant 49920 : i32
        %dma_start3A_124 = arith.constant 0 : i32
        %dma_start3A_125 = tpu.memref_slice %arg6[%dma_start3A_123, %dma_start3A_124] : memref<850000x128xf32, #tpu.memory_space<hbm>> -> memref<80x128xf32, #tpu.memory_space<hbm>>
        %dma_start3A_126 = arith.constant 0 : i32
        %dma_start3A_127 = arith.constant 0 : i32
        %dma_start3A_128 = tpu.memref_slice %arg11[%dma_start3A_126, %dma_start3A_127] : memref<128x128xf32, #tpu.memory_space<vmem>> -> memref<80x128xf32, #tpu.memory_space<vmem>>
        tpu.enqueue_dma source(%dma_start3A_128 : memref<80x128xf32, #tpu.memory_space<vmem>>) target(%dma_start3A_125 : memref<80x128xf32, #tpu.memory_space<hbm>>) target_semaphore(%run_scoped3A : memref<!tpu.dma_semaphore, #tpu.memory_space<semaphore_mem>>)
        %dma_wait3A_129 = arith.constant 0 : i32
        %dma_wait3A_130 = arith.constant 0 : i32
        %dma_wait3A_131 = tpu.memref_slice %arg11[%dma_wait3A_129, %dma_wait3A_130] : memref<128x128xf32, #tpu.memory_space<vmem>> -> memref<80x128xf32, #tpu.memory_space<vmem>>
        %dma_wait3A_132 = arith.constant 49920 : i32
        %dma_wait3A_133 = arith.constant 0 : i32
        %dma_wait3A_134 = tpu.memref_slice %arg6[%dma_wait3A_132, %dma_wait3A_133] : memref<850000x128xf32, #tpu.memory_space<hbm>> -> memref<80x128xf32, #tpu.memory_space<hbm>>
        %dma_wait3A_135 = arith.constant 49920 : i32
        %dma_wait3A_136 = arith.constant 0 : i32
        %dma_wait3A_137 = tpu.memref_slice %arg6[%dma_wait3A_135, %dma_wait3A_136] : memref<850000x128xf32, #tpu.memory_space<hbm>> -> memref<80x128xf32, #tpu.memory_space<hbm>>
        %dma_wait3A_138 = arith.constant 0 : i32
        %dma_wait3A_139 = arith.constant 0 : i32
        %dma_wait3A_140 = tpu.memref_slice %arg11[%dma_wait3A_138, %dma_wait3A_139] : memref<128x128xf32, #tpu.memory_space<vmem>> -> memref<80x128xf32, #tpu.memory_space<vmem>>
        tpu.wait_dma2 semaphore(%run_scoped3A : memref<!tpu.dma_semaphore, #tpu.memory_space<semaphore_mem>>) src(%dma_wait3A_140 : memref<80x128xf32, #tpu.memory_space<vmem>>) dst(%dma_wait3A_137 : memref<80x128xf32, #tpu.memory_space<hbm>>)
        tpu.yield
      }) : () -> ()
    } else {
    }
    return
  }
}

</mosaic_0001>

<sc_bundles>
// kernel: kernel.3.cloned.1.call-start
scs
__scs_entry_jumppad:
0x0: {  	(pc) =	sbr.rel $0x88, $3  }
0x1: {  	(tag) =	ssettag $0x0;
	lr =	simm.s32 $0x1  }
0x2: {  	[smem:$0x3F9D] =	sst lr;
	_ =	strace $0xD0000000  }
0x3: {  	_ = 	snop  }
0x4: {  	_ = 	snop  }
0x5: {  	_ = 	snop  }
0x6: {  	_ = 	snop  }
0x7: {  	_ = 	snop  }
__scs_overlays_trampoline_lowered:
0x8: {  	[smem:$0x3FAC] =	sst s0  }
0x9: {  	[smem:$0x3FAD] =	sst s1  }
0xa: {  	[smem:$0x3FAE] =	sst s2  }
0xb: {  	[smem:$0x3FAF] =	sst s3  }
0xc: {  	[smem:$0x3FB0] =	sst s4  }
0xd: {  	[smem:$0x3FB1] =	sst s5  }
0xe: {  	[smem:$0x3FB2] =	sst s6  }
0xf: {  	[smem:$0x3FB3] =	sst s7  }
0x10: {  	[smem:$0x3FB4] =	sst s8  }
0x11: {  	[smem:$0x3FB5] =	sst s9;
	s0 =	simm.s32 @!p0 $0x0  }
0x12: {  	s1 =	sld [smem:$0x3F9B];
	s0 =	simm.s32 @p0 $0x1  }
0x13: {  	[smem:$0x3FB6] =	sst s0;
	s0 =	simm.s32 @!p1 $0x0  }
0x14: {  	s2 =	sld [smem:$0x3F9A];
	s0 =	simm.s32 @p1 $0x1  }
0x15: {  	[smem:$0x3FB7] =	sst s0;
	s0 =	simm.s32 @!p2 $0x0  }
0x16: {  	s3 =	sld [smem:$0x3FDB];
	s0 =	simm.s32 @p2 $0x1  }
0x17: {  	s4 =	simm.s32 $0x1BF5;
	[smem:$0x3FB9] =	sst s0  }
0x18: {  	s0 =	sld [smem:$0x3F9C];
	_ =	swait.ge [sflag:s4], $0x0  }
0x19: {  	s7 =	sld [smem:$0x3F9D]  }
0x1a: {  	s8 =	sadd.s32 $0xFFFFE003, lr  }
0x1b: {  	s9 =	sadd.s32 $0xFFFFFEF7, lr;
	s5 =	simm.s32 $0xFFFFFFFF;
	p2 =	slt.u32 s8, $0xFFFFF086  }
0x1c: {  	p1 =	slt.u32 s9, $0xF7A;
	s5 =	simm.s32 @!p2 $0x0  }
0x1d: {  	s5 =	simm.s32 @p1 $0x1;
	p0 =	seq.s32 s7, s2  }
0x1e: {  	s7 =	smul.u32 @!p0 $0xF7A, s2;
	p2 =	seq.s32 @!p0 s5, $0x0  }
0x1f: {  	s9 =	smul.u32 $0xF7A, s1;
	s8 =	simm.s32 @!p0 $0x1BF5;
	p2 =	por !p2, p0  }
0x20: {  	[sflag:s8] =	ssyncset.s32 @!p0 $0xFFFFF086;
	s6 =	sadd.s32 @!p0 s3, s7;
	s7 =	simm.s32 @!p0 $0x108  }
0x21: {  	s3 =	sadd.s32 s3, s9;
	s6 =	sadd.s32 @!p0 $0x88, s6;
	s7 =	simm.s32 @p2 $0x1082  }
0x22: {  	[simem:s7], [sflag:s8] =	dma.local @!p0 [hbm:s6], $0xF7A  }
0x23: {  	s9 =	sor.u32 $0xD0000000, s2;
	s6 =	simm.s32 $0x108;
	_ =	swait.ge @!p0 [sflag:s8], $0x0  }
0x24: {  	s3 =	sadd.s32 $0x88, s3;
	s6 =	simm.s32 @!p1 $0x1082;
	[sflag:s4] =	ssyncset.s32 $0xFFFFF086  }
0x25: {  	[simem:s6], [sflag:s4] =	dma.local [hbm:s3], $0xF7A  }
0x26: {  	[smem:$0x3F9D] =	sst s1;
	(tag) =	ssettag s2;
	_ =	strace s9  }
0x27: {  	s1 =	sld [smem:$0x3FAD]  }
0x28: {  	s2 =	sld [smem:$0x3FAE]  }
0x29: {  	s4 =	sld [smem:$0x3FB0]  }
0x2a: {  	p0 =	seq.s32 s5, $0x0;
	s5 =	sld [smem:$0x3FB1]  }
0x2b: {  	s6 =	sld [smem:$0x3FB2]  }
0x2c: {  	s7 =	sld [smem:$0x3FB3]  }
0x2d: {  	s3 =	simm.s32 $0x108;
	s8 =	sld [smem:$0x3FB4]  }
0x2e: {  	s3 =	simm.s32 @!p0 $0x1082;
	s9 =	sld [smem:$0x3FB5]  }
0x2f: {  	lr =	sadd.s32 s0, s3;
	s0 =	sld [smem:$0x3FAC]  }
0x30: {  	s3 =	sld [smem:$0x3FAF]  }
0x31: {  	[smem:$0x3FB8] =	sst s10  }
0x32: {  	s10 =	sld [smem:$0x3FB6];
	_ =	sdelay $0x3  }
0x33: {  	p0 =	seq.s32 s10, $0x1;
	s10 =	sld [smem:$0x3FB8];
	_ =	sdelay $0x3  }
0x34: {  	[smem:$0x3FB8] =	sst s10  }
0x35: {  	s10 =	sld [smem:$0x3FB7];
	_ =	sdelay $0x3  }
0x36: {  	p1 =	seq.s32 s10, $0x1;
	s10 =	sld [smem:$0x3FB8];
	_ =	sdelay $0x3  }
0x37: {  	[smem:$0x3FB8] =	sst s10  }
0x38: {  	s10 =	sld [smem:$0x3FB9]  }
0x39: {  	_ = 	snop;
	(pc) =	sbr.ind lr, $3  }
0x3a: {  	_ = 	snop  }
0x3b: {  	_ = 	snop  }
0x3c: {  	p2 =	seq.s32 s10, $0x1;
	s10 =	sld [smem:$0x3FB8]  }
0x3d: {  	_ =	shalt  }
0x3e: {  	_ =	shalt  }
0x3f: {  	_ =	shalt  }
0x40: {  	_ =	shalt  }
0x41: {  	_ =	shalt  }
0x42: {  	_ =	shalt  }
0x43: {  	_ =	shalt  }
0x44: {  	_ =	shalt  }
0x45: {  	_ =	shalt  }
0x46: {  	_ =	shalt  }
0x47: {  	_ =	shalt  }
0x48: {  	_ =	shalt  }
0x49: {  	_ =	shalt  }
0x4a: {  	_ =	shalt  }
0x4b: {  	_ =	shalt  }
0x4c: {  	_ =	shalt  }
0x4d: {  	_ =	shalt  }
0x4e: {  	_ =	shalt  }
0x4f: {  	_ =	shalt  }
0x50: {  	_ =	shalt  }
0x51: {  	_ =	shalt  }
0x52: {  	_ =	shalt  }
0x53: {  	_ =	shalt  }
0x54: {  	_ =	shalt  }
0x55: {  	_ =	shalt  }
0x56: {  	_ =	shalt  }
0x57: {  	_ =	shalt  }
0x58: {  	_ =	shalt  }
0x59: {  	_ =	shalt  }
0x5a: {  	_ =	shalt  }
0x5b: {  	_ =	shalt  }
0x5c: {  	_ =	shalt  }
0x5d: {  	_ =	shalt  }
0x5e: {  	_ =	shalt  }
0x5f: {  	_ =	shalt  }
0x60: {  	_ =	shalt  }
0x61: {  	_ =	shalt  }
0x62: {  	_ =	shalt  }
0x63: {  	_ =	shalt  }
0x64: {  	_ =	shalt  }
0x65: {  	_ =	shalt  }
0x66: {  	_ =	shalt  }
0x67: {  	_ =	shalt  }
0x68: {  	_ =	shalt  }
0x69: {  	_ =	shalt  }
0x6a: {  	_ =	shalt  }
0x6b: {  	_ =	shalt  }
0x6c: {  	_ =	shalt  }
0x6d: {  	_ =	shalt  }
0x6e: {  	_ =	shalt  }
0x6f: {  	_ =	shalt  }
0x70: {  	_ =	shalt  }
0x71: {  	_ =	shalt  }
0x72: {  	_ =	shalt  }
0x73: {  	_ =	shalt  }
0x74: {  	_ =	shalt  }
0x75: {  	_ =	shalt  }
0x76: {  	_ =	shalt  }
0x77: {  	_ =	shalt  }
0x78: {  	_ =	shalt  }
0x79: {  	_ =	shalt  }
0x7a: {  	_ =	shalt  }
0x7b: {  	_ =	shalt  }
0x7c: {  	_ =	shalt  }
0x7d: {  	_ =	shalt  }
0x7e: {  	_ =	shalt  }
0x7f: {  	_ =	shalt  }
0x80: {  	_ =	shalt  }
0x81: {  	_ =	shalt  }
0x82: {  	_ =	shalt  }
0x83: {  	_ =	shalt  }
0x84: {  	_ =	shalt  }
0x85: {  	_ =	shalt  }
0x86: {  	_ =	shalt  }
0x87: {  	_ =	shalt  }
.Lfunc_end0:
.L_simem_size_0:
called_computation_lowered:
.L_overlay_start_0:
0x88: {  	s2 =	sld [smem:$0x3FD9]  }
0x89: {  	s3 =	sld [smem:$0x3FFE];
	_ =	sdelay $0x1  }
0x8a: {  	s1 =	srdreg.scid  }
0x8b: {  	s0 =	sand.u32 $0x1, s1  }
0x8c: {  	s18 =	sshll.u32 s0, $0xA;
	s2 =	sadd.s32 s3, s2  }
0x8d: {  	s2 =	sadd.s32 s2, s18  }
0x8e: {  	[smem:$0x3FC4] =	sst s2  }
0x8f: {  	_ = 	snop  }
0x90: {  	s2 =	sld [smem:$0x3FC9]  }
0x91: {  	s19 =	sld [smem:$0x3FC8]  }
0x92: {  	s4 =	sld [smem:$0x3FC7]  }
0x93: {  	s5 =	sld [smem:$0x3FC6]  }
0x94: {  	s6 =	sld [smem:$0x3FD0];
	(tm) =	ssettm $0x1  }
0x95: {  	s7 =	sld [smem:$0x3FFB];
	_ =	sdelay $0x3  }
0x96: {  	_ =	strace s7  }
0x97: {  	s7 =	sld [smem:$0x3FFC];
	_ =	sdelay $0x3  }
0x98: {  	_ =	strace s7  }
0x99: {  	s7 =	sld [smem:$0x3FFD];
	_ =	sdelay $0x3  }
0x9a: {  	_ =	strace s7  }
0x9b: {  	_ =	strace $0x8FFFFFFF  }
0x9c: {  	s20 =	sld [smem:$0x3FDB];
	_ =	sdelay $0x1  }
0x9d: {  	s8 =	simm.s32 $_scs_section_size  }
0x9e: {  	s9 =	simm.s32 $_size__tile_overlayer_lowered;
	s10 =	simm.s32 $_tile_overlayer_lowered  }
0x9f: {  	s23 =	simm.s32 $0x1BFF;
	s22 =	sshll.u32 s10, $0x1;
	s7 =	sadd.s32 s8, s20  }
0xa0: {  	s11 =	simm.s32 $0x0;
	s21 =	sshll.u32 s9, $0x1;
	s9 =	sadd.s32 s22, s7  }
0xa1: {  	[timem:s11], [sflag:s23] =	dma.local [hbm:s9], s21  }
0xa2: {  	_ =	swait.ge [sflag:s23], s21  }
0xa3: {  	s8 =	ssub.s32 $0x0, s21;
	[sflag:s23] =	ssyncset.done $0x0  }
0xa4: {  	[sflag:s23] =	ssyncadd.s32 s8;
	_ =	sdelay $0x1  }
0xa5: {  	s24 =	simm.s32 $0x1B8B  }
0xa6: {  	_ =	swait.ge [sflag:s24], $0x1  }
0xa7: {  	[sflag:s24] =	ssyncset.done $0x0  }
0xa8: {  	s25 =	simm.s32 $0x1B8E;
	[sflag:s24] =	ssyncadd.s32 $0xFFFFFFFF  }
0xa9: {  	s26 =	simm.s32 $execute0_lowered;
	[smem:$0x3FD2] =	sst s25  }
0xaa: {  	s8 =	sshll.u32 s26, $0x1;
	_ =	strace $0x80000046;
	[dreg:$0x1] =	wrdreg $0xFFFFFFFF  }
0xab: {  	s28 =	simm.s32 $_size_execute0_lowered;
	s7 =	sadd.s32 s7, s8;
	[dreg:$0x0] =	wrdreg $0x0  }
0xac: {  	s8 =	sshll.u32 s28, $0x1;
	[dreg:$0x2] =	wrdreg s7  }
0xad: {  	[dreg:$0x3] =	wrdreg s8  }
0xae: {  	[dreg:$0x4] =	wrdreg $0xC0  }
0xaf: {  	_ =	task [dreg:s11], $0x5FFFF  }
0xb0: {  	[dreg:$0x1] =	wrdreg $0xFFFFFFFF  }
0xb1: {  	[dreg:$0x0] =	wrdreg $0x60  }
0xb2: {  	[dreg:$0x2] =	wrdreg s2  }
0xb3: {  	[dreg:$0x3] =	wrdreg s19  }
0xb4: {  	[dreg:$0x4] =	wrdreg s4  }
0xb5: {  	[dreg:$0x5] =	wrdreg s5  }
0xb6: {  	[dreg:$0x6] =	wrdreg s6  }
0xb7: {  	[dreg:$0x7] =	wrdreg $0x68800  }
0xb8: {  	[dreg:$0x8] =	wrdreg $0x68A00  }
0xb9: {  	[dreg:$0x9] =	wrdreg $0x9  }
0xba: {  	_ =	task.clear_ibuf [dreg:s11], $0xAFFFF;
	_ =	strace $0x90000046  }
0xbb: {  	s29 =	simm.s32 $0x9;
	_ =	strace $0x80000048  }
0xbc: {  	_ =	swait.ge [sflag:s29], $0x1  }
0xbd: {  	[sflag:s29] =	ssyncadd.s32 $0xFFFFFFFF  }
0xbe: {  	_ =	strace $0x90000048  }
0xbf: {  	_ =	sfence  }
0xc0: {  	s30 =	sld [smem:$0x0];
	_ =	sdelay $0x2  }
0xc1: {  	s31 =	sshll.u32 s1, $0xD;
	s1 =	sshrl.u32 s1, $0x2  }
0xc2: {  	s3 =	sand.u32 $0x4000, s31;
	s1 =	sadd.s32 s1, s30  }
0xc3: {  	s0 =	sor.u32 s3, s0;
	s1 =	sshll.u32 s1, $0x11  }
0xc4: {  	s0 =	sor.u32 s1, s0  }
0xc5: {  	s0 =	sadd.s32 $0x8F2B, s0  }
0xc6: {  	[sflag:s0] =	ssyncadd.remote.s32 $0x1  }
0xc7: {  	_ =	sfence.sel $0xFFFF  }
0xc8: {  	[dreg:$0x0] =	wrdreg $0xFFFFFFFF;
	(pc) =	sbr.abs _section_cstart, $3  }
0xc9: {  	[dreg:$0x1] =	wrdreg $0xFFFFFFFF  }
0xca: {  	_ =	task.clear_ibuf [dreg:s11], $0x2FFFF;
	_ =	strace $0x9FFFFFFF  }
0xcb: {  	(tm) =	ssettm $0x7FFFFFFF  }
tec
execute0_lowered:
.L_overlay_start_1:
0x0: {  	(tag) =	ssettag $0x1  }
0x1: {  	s0 =	rddreg [dreg:$0x0]  }
0x2: {  	s1 =	rddreg [dreg:$0x1];
	s7 =	stileid.u32  }
0x3: {  	s2 =	rddreg [dreg:$0x4];
	s16 =	smul.u32 $0x18, s7  }
0x4: {  	s4 =	srdreg.scid;
	s23 =	smul.u32 $0xC350, s7  }
0x5: {  	s3 =	rddreg [dreg:$0x5];
	s4 =	sand.u32 $0x1, s4;
	s25 =	smul.u32 $0xC00, s7  }
0x6: {  	s5 =	rddreg [dreg:$0x6];
	s17 =	simm.s32 $0x0;
	s15 =	smul.u32 $0xC, s4  }
0x7: {  	s8 =	sshll.u32 s7, $0x1;
	[smem:$0x7FF] =	sst s17;
	s28 =	smul.u32 $0x600, s4  }
0x8: {  	p0 =	slt.u32 s7, $0x3;
	s8 =	sor.u32 s4, s8;
	s30 =	smul.u32 $0x61A8, s4  }
0x9: {  	s26 =	sadd.s32 $0xC3000, s2;
	_ =	strace $0x80000047;
	s9 =	smul.u32 $0xC, s8  }
0xa: {  	s11 =	ssub.s32 $0x2, s4;
	[dreg:$0xc] =	wrdreg s26;
	s12 =	smul.u32 $0x61A8, s8  }
0xb: {  	s10 =	smin.u32 s8, $0x6;
	s13 =	sshrl.u32 s11, $0x1;
	s14 =	smul.u32 $0x30D400, s8  }
0xc: {  	s11 =	ssub.s32 s11, s13;
	s19 =	sor.u32 s16, s10;
	s31 =	sshll.u32 s10, $0x7  }
0xd: {  	s9 =	sadd.s32 s10, s9;
	s12 =	sshrl.u32 s12, $0x3;
	s20 =	sshrl.u32 s14, $0x3  }
0xe: {  	s29 =	smax.u32 s11, $0x1;
	s9 =	sshll.u32 s9, $0x7;
	s1 =	sadd.s32 s1, s12  }
0xf: {  	s12 =	sadd.s32 s2, s20;
	[dreg:$0x8] =	wrdreg s1;
	s1 =	sadd.s32 s15, s19  }
0x10: {  	s9 =	smin.u32 s9, $0xBCD0;
	s6 =	sadd.s32 $0x124D00, s12;
	s21 =	sshll.u32 s1, $0x7  }
0x11: {  	s9 =	sshrl.u32 s9, $0x3;
	s1 =	sshll.u32 s1, $0x9;
	s22 =	smin.u32 s21, $0xBCD0  }
0x12: {  	s18 =	sadd.s32 s0, s9;
	s9 =	simm.s32 $0xD0;
	s12 =	sshll.u32 s22, $0x2  }
0x13: {  	s0 =	sadd.s32 $0x1860, s0;
	s9 =	simm.s32 @!p0 $0xCF;
	s24 =	ssub.s32 s1, s12  }
0x14: {  	[dreg:$0xb] =	wrdreg s0;
	p0 =	sne.s32 s7, $0x0;
	s0 =	sshra.s32 s24, $0x2  }
0x15: {  	[dreg:$0xd] =	wrdreg s29;
	s14 =	sadd.s32 $0x6200, s0;
	s0 =	sshrl.u32 @!p0 s3, $0x3  }
0x16: {  	s10 =	simm.s32 $0x68D0;
	[dreg:$0xe] =	wrdreg s0;
	s0 =	simm.s32 @!p0 $0x0  }
0x17: {  	s15 =	sadd.s32 s30, s23;
	[dreg:$0xa] =	wrdreg s6;
	s0 =	simm.s32 @p0 $0x1  }
0x18: {  	[smem:$0x7FC] =	sst s0;
	s0 =	sshrl.u32 @!p0 s5, $0x3;
	p0 =	sne.s32 s8, $0x1F  }
0x19: {  	s19 =	simm.s32 $0xD;
	[dreg:$0xf] =	wrdreg s0;
	s0 =	simm.s32 @!p0 $0x0  }
0x1a: {  	[dreg:$0x9] =	wrdreg s18;
	s1 =	sadd.s32 s28, s25;
	s0 =	simm.s32 @p0 $0x1  }
0x1b: {  	s25 =	simm.s32 $0x0;
	s16 =	sadd.s32 s31, s1;
	[smem:$0x7FD] =	sst s0  }
.LBB2_1:
0x1c: {  	s0 =	sld [smem:$0x7FC];
	_ =	sdelay $0x2  }
0x1d: {  	s1 =	rddreg [dreg:$0xe];
	p0 =	seq.s32 s0, $0x1  }
0x1e: {  	s0 =	rddreg [dreg:$0x2];
	s7 =	simm.s32 @!p0 $0x1C0D;
	s8 =	simm.s32 @!p0 $0xD  }
0x1f: {  	[spmem:s1], [sflag:s7] =	dma.local @!p0 [hbm:s0], $0x40  }
0x20: {  	_ =	swait.ge @!p0 [sflag:s8], $0x40  }
0x21: {  	[sflag:s8] =	ssyncset.done @!p0 $0x0  }
0x22: {  	s1 =	rddreg [dreg:$0xf];
	[sflag:s8] =	ssyncadd.s32 @!p0 $0xFFFFFFC0  }
0x23: {  	s0 =	rddreg [dreg:$0x3]  }
0x24: {  	[spmem:s1], [sflag:s7] =	dma.local @!p0 [hbm:s0], $0x60  }
0x25: {  	_ =	swait.ge @!p0 [sflag:s8], $0x60  }
0x26: {  	[sflag:s8] =	ssyncset.done @!p0 $0x0  }
0x27: {  	[sflag:s8] =	ssyncadd.s32 @!p0 $0xFFFFFFA0  }
0x28: {  	s21 =	simm.s32 $0x6200;
	[bflag:$0x0] =	sbarrier.arrive $0xFFFF  }
0x29: {  	s22 =	simm.s32 $0x80;
	s23 =	simm.s32 $0xA8D0;
	s18 =	rddreg [dreg:$0x8]  }
0x2a: {  	[tilespmem:s17], [sflag:$0xD] =	stream.linear.gather [hbm4b:s18+s17], $0x61A8, $0x38;
	[tilespmem:$0x1E8D0] =	vst v63  }
0x2b: {  	s24 =	simm.s32 $0x100;
	s4 =	simm.s32 $0xE8D0;
	_ =	swait.ge [sflag:s19], $0x61A8  }
0x2c: {  	s26 =	simm.s32 $0x180;
	s30 =	simm.s32 $0x128D0;
	[sflag:s19] =	ssyncset.done $0x0  }
0x2d: {  	p4 =	sle.u32 s9, $0x4;
	s20 =	rddreg [dreg:$0x9];
	[sflag:s19] =	ssyncadd.s32 $0xFFFF9E58  }
0x2e: {  	[tilespmem:s21], [sflag:$0xD] =	stream.linear.gather [hbm4b:s20+s17], $0x680, $0x38;
	[tilespmem:$0x1E8D0] =	vst v63  }
0x2f: {  	p6 =	sle.u32 s9, $0x5;
	p3 =	por @!p4 $0x0, $0x0;
	_ =	swait.ge [sflag:s19], $0x680  }
0x30: {  	s28 =	simm.s32 $0x9;
	p2 =	por p3, p4;
	[sflag:s19] =	ssyncset.done $0x0  }
0x31: {  	p3 =	por !p3, p4;
	p0 =	por $0x1, $0x1;
	[sflag:s19] =	ssyncadd.s32 $0xFFFFF980  }
0x32: {  	[tilespmem:s10], [sflag:$0x1] =	stream.indirect.gather [spmem:s5], $0x80, s17, s22, $0xb8;
	[tilespmem:$0x1E8D0] =	vst v63  }
0x33: {  	s11 =	simm.s32 @!p2 $0x168D0;
	s0 =	simm.s32 @!p4 $0x0;
	p1 =	sle.u32 @!p0 s9, $0x4  }
0x34: {  	[tilespmem:s23], [sflag:$0x2] =	stream.indirect.gather [spmem:s5], $0x80, s22, s22, $0xb8;
	[tilespmem:$0x1E8D0] =	vst v63  }
0x35: {  	s12 =	sadd.s32 @!p3 $0x0, s14;
	s0 =	simm.s32 @p4 $0x1;
	p1 =	por p1, p0  }
0x36: {  	[tilespmem:s4], [sflag:$0x3] =	stream.indirect.gather [spmem:s5], $0x80, s24, s22, $0xb8;
	[tilespmem:$0x1E8D0] =	vst v63  }
0x37: {  	s13 =	simm.s32 @!p3 $0x168D0;
	s7 =	simm.s32 @!p1 $0xB;
	[smem:$0x7FB] =	sst s0  }
0x38: {  	[tilespmem:s30], [sflag:$0x4] =	stream.indirect.gather [spmem:s5], $0x80, s26, s22, $0xb8;
	[tilespmem:$0x1E8D0] =	vst v63  }
0x39: {  	s12 =	sadd.s32 @!p3 $0xFFFFA080, s12;
	s8 =	simm.s32 @!p2 $0x80;
	_ =	swait.ge @!p1 [sflag:s7], $0x4000  }
0x3a: {  	p4 =	sle.u32 @!p0 s9, $0x5;
	s20 =	simm.s32 $0xC00;
	[sflag:s7] =	ssyncset.done @!p1 $0x0  }
0x3b: {  	[sflag:s7] =	ssyncadd.s32 @!p1 $0xFFFFC000;
	p1 =	sle.u32 s9, $0x0;
	s7 =	simm.s32 @!p3 $0x80  }
0x3c: {  	[tilespmem:s13], [sflag:$0x5] =	stream.indirect.gather @!p3 [spmem:s3], $0x80, s12, s7, $0xb8;
	[tilespmem:$0x1E8D0] =	vst v63  }
0x3d: {  	p3 =	por @!p1 $0x1, $0x1;
	s7 =	sadd.s32 @!p1 $0x0, s15;
	s12 =	sadd.s32 @!p1 $0x0, s16  }
0x3e: {  	s7 =	sadd.s32 @!p1 $0xC350, s7;
	p3 =	por !p3, p1;
	s12 =	sadd.s32 @!p1 $0xFFFF9E80, s12  }
0x3f: {  	s10 =	simm.s32 @!p2 $0x200;
	s23 =	simm.s32 $0x1;
	s7 =	smov.u32 @p3 s12  }
0x40: {  	[tilespmem:s11], [sflag:$0x5] =	stream.indirect.gather @!p2 [spmem:s5], $0x80, s10, s8, $0xb8;
	[tilespmem:$0x1E8D0] =	vst v63  }
0x41: {  	p3 =	por @!p6 $0x0, $0x0;
	s12 =	simm.s32 @!p1 $0x1;
	p2 =	por p4, p0  }
0x42: {  	s8 =	simm.s32 @!p1 $0x68D0;
	s10 =	simm.s32 @!p1 $0x0;
	p0 =	sle.u32 s9, $0x6  }
0x43: {  	s7 =	sshll.u32 @!p1 s7, $0x4;
	_ =	swait.ge @!p1 [sflag:s12], $0x4000;
	s11 =	simm.s32 @!p2 $0xC  }
0x44: {  	p5 =	por !p3, p6;
	p4 =	por p3, p6;
	[sflag:s12] =	ssyncset.done @!p1 $0x0  }
0x45: {  	p3 =	sle.u32 s9, $0x1;
	s7 =	sadd.s32 @!p1 s2, s7;
	[sflag:s12] =	ssyncadd.s32 @!p1 $0xFFFFC000  }
0x46: {  	[hbm4b:s7+s10] =	stream.linear.scatter @!p1 [tilespmem:s8], [sflag:$0x7], $0x4000, $0x38;
	[tilespmem:$0x1E8D0] =	vst v63  }
0x47: {  	s12 =	simm.s32 @!p4 $0x80;
	p1 =	por @!p0 $0x0, $0x0;
	s7 =	sadd.s32 @!p5 $0x0, s14  }
0x48: {  	s8 =	simm.s32 @!p5 $0x1A8D0;
	s10 =	simm.s32 @!p5 $0x80;
	_ =	swait.ge @!p2 [sflag:s11], $0x4000  }
0x49: {  	s7 =	sadd.s32 @!p5 $0xFFFFA100, s7;
	[sflag:s11] =	ssyncset.done @!p2 $0x0;
	s31 =	sld [smem:$0x7FB]  }
0x4a: {  	[sflag:s11] =	ssyncadd.s32 @!p2 $0xFFFFC000;
	p2 =	por @!p3 $0x1, $0x1;
	s11 =	simm.s32 @!p4 $0x280  }
0x4b: {  	[tilespmem:s8], [sflag:$0x6] =	stream.indirect.gather @!p5 [spmem:s3], $0x80, s7, s10, $0xb8;
	[tilespmem:$0x1E8D0] =	vst v63  }
0x4c: {  	s7 =	sadd.s32 @!p3 $0x0, s15;
	s8 =	sadd.s32 @!p3 $0x0, s16;
	p2 =	por !p2, p3  }
0x4d: {  	s10 =	simm.s32 @!p3 $0x2;
	s8 =	sadd.s32 @!p3 $0xFFFF9F00, s8;
	s7 =	sadd.s32 @!p3 $0xC3D0, s7  }
0x4e: {  	s7 =	smov.u32 @p2 s8;
	p2 =	por !p1, p0;
	s8 =	simm.s32 @!p4 $0x1A8D0  }
0x4f: {  	[tilespmem:s8], [sflag:$0x6] =	stream.indirect.gather @!p4 [spmem:s5], $0x80, s11, s12, $0xb8;
	[tilespmem:$0x1E8D0] =	vst v63  }
0x50: {  	p5 =	seq.s32 s31, $0x1;
	p1 =	por p1, p0;
	s8 =	sadd.s32 @!p2 $0x0, s14  }
0x51: {  	s7 =	sshll.u32 @!p3 s7, $0x4;
	s11 =	simm.s32 @!p3 $0xA8D0;
	_ =	swait.ge @!p3 [sflag:s10], $0x4000  }
0x52: {  	s12 =	simm.s32 @!p0 $0x7;
	p4 =	sle.u32 s9, $0x3;
	[sflag:s10] =	ssyncset.done @!p3 $0x0  }
0x53: {  	s7 =	sadd.s32 @!p3 s2, s7;
	[sflag:s10] =	ssyncadd.s32 @!p3 $0xFFFFC000;
	s10 =	simm.s32 @!p3 $0x0  }
0x54: {  	[hbm4b:s7+s10] =	stream.linear.scatter @!p3 [tilespmem:s11], [sflag:$0x8], $0x4000, $0x38;
	[tilespmem:$0x1E8D0] =	vst v63  }
0x55: {  	s18 =	simm.s32 @!p4 $0x128D0;
	s29 =	simm.s32 @!p4 $0x4;
	s7 =	sadd.s32 @!p2 $0xFFFFA180, s8  }
0x56: {  	s8 =	simm.s32 @!p1 $0x300;
	p3 =	sle.u32 s9, $0x2;
	_ =	swait.ge @!p0 [sflag:s12], $0x4000  }
0x57: {  	s10 =	sadd.s32 @!p3 $0x0, s16;
	s11 =	simm.s32 @!p3 $0xE8D0;
	[sflag:s12] =	ssyncset.done @!p0 $0x0  }
0x58: {  	s13 =	sadd.s32 @!p3 $0x0, s15;
	[sflag:s12] =	ssyncadd.s32 @!p0 $0xFFFFC000;
	p0 =	por @!p3 $0x1, $0x1  }
0x59: {  	s13 =	sadd.s32 @!p3 $0xC450, s13;
	s10 =	sadd.s32 @!p3 $0xFFFF9F80, s10;
	p0 =	por !p0, p3  }
0x5a: {  	s12 =	simm.s32 @!p2 $0x68D0;
	s13 =	smov.u32 @p0 s10;
	s10 =	simm.s32 @!p2 $0x80  }
0x5b: {  	[tilespmem:s12], [sflag:$0x1] =	stream.indirect.gather @!p2 [spmem:s3], $0x80, s7, s10, $0xb8;
	[tilespmem:$0x1E8D0] =	vst v63  }
0x5c: {  	s17 =	simm.s32 @!p3 $0x3;
	p0 =	sle.u32 s9, $0x7;
	s7 =	sshll.u32 @!p3 s13, $0x4  }
0x5d: {  	s10 =	simm.s32 @!p1 $0x80;
	s12 =	simm.s32 @!p1 $0x68D0;
	s7 =	sadd.s32 @!p3 s2, s7  }
0x5e: {  	[tilespmem:s12], [sflag:$0x1] =	stream.indirect.gather @!p1 [spmem:s5], $0x80, s8, s10, $0xb8;
	[tilespmem:$0x1E8D0] =	vst v63  }
0x5f: {  	p1 =	por @!p0 $0x0, $0x0;
	s8 =	simm.s32 @!p3 $0x0;
	_ =	swait.ge @!p3 [sflag:s17], $0x4000  }
0x60: {  	p2 =	por !p1, p0;
	p1 =	por p1, p0;
	[sflag:s17] =	ssyncset.done @!p3 $0x0  }
0x61: {  	s10 =	simm.s32 @!p0 $0x8;
	s26 =	simm.s32 @!p1 $0x380;
	[sflag:s17] =	ssyncadd.s32 @!p3 $0xFFFFC000  }
0x62: {  	[hbm4b:s7+s8] =	stream.linear.scatter @!p3 [tilespmem:s11], [sflag:$0x9], $0x4000, $0x38;
	[tilespmem:$0x1E8D0] =	vst v63  }
0x63: {  	s17 =	simm.s32 @!p4 $0x0;
	s7 =	sadd.s32 @!p2 $0x0, s14;
	s8 =	simm.s32 @!p2 $0xA8D0  }
0x64: {  	p3 =	por @!p5 $0x1, $0x1;
	s11 =	sadd.s32 @!p4 $0x0, s16;
	_ =	swait.ge @!p0 [sflag:s10], $0x4000  }
0x65: {  	s7 =	sadd.s32 @!p2 $0xFFFFA200, s7;
	p3 =	por !p3, p5;
	[sflag:s10] =	ssyncset.done @!p0 $0x0  }
0x66: {  	s11 =	sadd.s32 @!p4 $0xFFFFA000, s11;
	[sflag:s10] =	ssyncadd.s32 @!p0 $0xFFFFC000;
	s10 =	simm.s32 @!p2 $0x80  }
0x67: {  	[tilespmem:s8], [sflag:$0x2] =	stream.indirect.gather @!p2 [spmem:s3], $0x80, s7, s10, $0xb8;
	[tilespmem:$0x1E8D0] =	vst v63  }
0x68: {  	p0 =	por @!p6 $0x1, $0x1;
	p2 =	por @!p4 $0x1, $0x1;
	s7 =	sadd.s32 @!p5 $0x0, s16  }
0x69: {  	s8 =	sadd.s32 @!p5 $0x0, s15;
	s10 =	sadd.s32 @!p4 $0x0, s15;
	p2 =	por !p2, p4  }
0x6a: {  	s7 =	sadd.s32 @!p5 $0xFFFFA080, s7;
	s8 =	sadd.s32 @!p5 $0xC550, s8;
	s10 =	sadd.s32 @!p4 $0xC4D0, s10  }
0x6b: {  	p0 =	por !p0, p6;
	s8 =	smov.u32 @p3 s7;
	s10 =	smov.u32 @p2 s11  }
0x6c: {  	s7 =	simm.s32 $0x300;
	s11 =	simm.s32 @!p1 $0xA8D0;
	s8 =	sshll.u32 @!p5 s8, $0x4  }
0x6d: {  	s12 =	sadd.s32 @!p5 s2, s8;
	s8 =	sshll.u32 @!p4 s10, $0x4;
	s10 =	simm.s32 @!p1 $0x80  }
0x6e: {  	[tilespmem:s11], [sflag:$0x2] =	stream.indirect.gather @!p1 [spmem:s5], $0x80, s26, s10, $0xb8;
	[tilespmem:$0x1E8D0] =	vst v63  }
0x6f: {  	s22 =	sadd.s32 @!p4 s2, s8;
	s8 =	sadd.s32 @!p6 $0x0, s15;
	p1 =	sle.u32 s9, $0x8  }
0x70: {  	s26 =	simm.s32 $0x0;
	s13 =	sadd.s32 @!p6 $0xC5D0, s8;
	s8 =	sadd.s32 @!p6 $0x0, s16  }
0x71: {  	_ =	swait.ge @!p4 [sflag:s29], $0x4000;
	s10 =	sadd.s32 @!p6 $0xFFFFA100, s8;
	s8 =	simm.s32 $0x0  }
.LBB2_2:
0x72: {  	[sflag:s29] =	ssyncset.done @!p4 $0x0  }
0x73: {  	s11 =	simm.s32 @!p1 $0x9;
	p2 =	sgt.u32 @!p1 s8, $0x1F;
	s13 =	smov.u32 @p0 s10  }
0x74: {  	s10 =	smov.u32 s7;
	[sflag:s29] =	ssyncadd.s32 @!p4 $0xFFFFC000;
	p3 =	por !p2, p1  }
0x75: {  	p2 =	por p2, p1;
	s29 =	sshra.s32 @!p3 s26, $0x2;
	s30 =	simm.s32 @!p3 $0xE8D0  }
0x76: {  	[hbm4b:s22+s17] =	stream.linear.scatter @!p4 [tilespmem:s18], [sflag:$0xA], $0x4000, $0x38;
	[tilespmem:$0x1E8D0] =	vst v63  }
0x77: {  	s31 =	simm.s32 @!p2 $0x80;
	s18 =	simm.s32 @!p3 $0x80;
	_ =	swait.ge @!p1 [sflag:s11], $0x4000  }
0x78: {  	s22 =	sshra.s32 @!p2 s26, $0x2;
	s17 =	sadd.s32 @!p3 s29, s14;
	[sflag:s11] =	ssyncset.done @!p1 $0x0  }
0x79: {  	s17 =	sadd.s32 @!p3 $0xFFFFA280, s17;
	s0 =	sld [smem:$0x7FB];
	[sflag:s11] =	ssyncadd.s32 @!p1 $0xFFFFC000  }
0x7a: {  	[tilespmem:s30], [sflag:$0x3] =	stream.indirect.gather @!p3 [spmem:s3], $0x80, s17, s18, $0xb8;
	[tilespmem:$0x1E8D0] =	vst v63  }
0x7b: {  	s11 =	sadd.s32 @!p2 $0x400, s22;
	s30 =	smov.u32 s20;
	s20 =	sadd.s32 $0xC00, s20  }
0x7c: {  	s22 =	simm.s32 @!p2 $0xE8D0;
	p3 =	seq.s32 s0, $0x1;
	p1 =	sne.s32 s20, $0x1A400  }
0x7d: {  	[tilespmem:s22], [sflag:$0x3] =	stream.indirect.gather @!p2 [spmem:s5], $0x80, s11, s31, $0xb8;
	[tilespmem:$0x1E8D0] =	vst v63  }
0x7e: {  	s13 =	sshll.u32 @!p6 s13, $0x4;
	s17 =	simm.s32 @!p3 $0x5;
	s0 =	simm.s32 @!p1 $0x0  }
0x7f: {  	p2 =	sge.u32 s28, s9;
	s11 =	simm.s32 @!p3 $0x0;
	s0 =	simm.s32 @p1 $0x1  }
0x80: {  	s22 =	simm.s32 @!p3 $0x168D0;
	s28 =	sadd.s32 $0x6, s28;
	[smem:$0x7FA] =	sst s0  }
0x81: {  	p1 =	sgt.u32 @!p2 s8, $0x1E;
	s1 =	sadd.s32 $0xFFFFFFFD, s28;
	_ =	swait.ge @!p3 [sflag:s17], $0x4000  }
0x82: {  	s4 =	sadd.s32 $0xFFFFFFFA, s28;
	s18 =	sadd.s32 $0xFFFFFFFB, s28;
	[sflag:s17] =	ssyncset.done @!p3 $0x0  }
0x83: {  	s6 =	sadd.s32 $0xFFFFFFF7, s28;
	p5 =	sge.u32 s18, s9;
	[sflag:s17] =	ssyncadd.s32 @!p3 $0xFFFFC000  }
0x84: {  	[hbm4b:s12+s11] =	stream.linear.scatter @!p3 [tilespmem:s22], [sflag:$0xB], $0x4000, $0x38;
	[tilespmem:$0x1E8D0] =	vst v63  }
0x85: {  	s17 =	simm.s32 @!p2 $0xA;
	p3 =	por !p1, p2;
	p1 =	por p1, p2  }
0x86: {  	_ =	swait.ge @!p2 [sflag:s17], $0x4000;
	s8 =	sshra.s32 @!p3 s26, $0x2;
	s11 =	simm.s32 @!p3 $0x128D0  }
0x87: {  	s12 =	sshra.s32 @!p1 s26, $0x2;
	s22 =	simm.s32 @!p1 $0x80;
	s29 =	simm.s32 @!p1 $0x128D0  }
0x88: {  	s26 =	smov.u32 s30;
	[sflag:s17] =	ssyncset.done @!p2 $0x0;
	s8 =	sadd.s32 @!p3 s8, s14  }
0x89: {  	[sflag:s17] =	ssyncadd.s32 @!p2 $0xFFFFC000;
	s8 =	sadd.s32 @!p3 $0xFFFFA300, s8;
	s17 =	simm.s32 @!p3 $0x80  }
0x8a: {  	[tilespmem:s11], [sflag:$0x4] =	stream.indirect.gather @!p3 [spmem:s3], $0x80, s8, s17, $0xb8;
	[tilespmem:$0x1E8D0] =	vst v63  }
0x8b: {  	s12 =	sadd.s32 @!p1 $0x480, s12;
	p2 =	sge.u32 s4, s9;
	s11 =	simm.s32 @!p6 $0x6  }
0x8c: {  	s8 =	smov.u32 s23;
	s17 =	simm.s32 @!p6 $0x1A8D0;
	s0 =	simm.s32 @!p2 $0x0  }
0x8d: {  	s0 =	simm.s32 @p2 $0x1;
	p2 =	slt.u32 @!p2 s8, $0x20;
	p3 =	sgt.u32 @!p5 s8, $0x1F  }
0x8e: {  	[tilespmem:s29], [sflag:$0x4] =	stream.indirect.gather @!p1 [spmem:s5], $0x80, s12, s22, $0xb8;
	[tilespmem:$0x1E8D0] =	vst v63  }
0x8f: {  	s12 =	simm.s32 @!p6 $0x0;
	p1 =	seq.s32 s26, $0x0;
	_ =	swait.ge @!p6 [sflag:s11], $0x4000  }
0x90: {  	p0 =	sge.u32 @!p1 s18, s9;
	[sflag:s11] =	ssyncset.done @!p6 $0x0;
	[smem:$0x7F3] =	sst s0  }
0x91: {  	s0 =	simm.s32 @!p2 $0x0;
	[sflag:s11] =	ssyncadd.s32 @!p6 $0xFFFFC000;
	s11 =	sadd.s32 @!p6 s2, s13  }
0x92: {  	s0 =	simm.s32 @p2 $0x1;
	p2 =	por p0, p1;
	p0 =	sge.u32 s1, s9  }
0x93: {  	[hbm4b:s11+s12] =	stream.linear.scatter @!p6 [tilespmem:s17], [sflag:$0xC], $0x4000, $0x38;
	[tilespmem:$0x1E8D0] =	vst v63  }
0x94: {  	s13 =	sadd.s32 $0xFFFFFFFC, s28;
	[smem:$0x7EE] =	sst s0;
	s0 =	simm.s32 @!p0 $0x0  }
0x95: {  	s17 =	simm.s32 @!p2 $0xB;
	p6 =	por p3, p5;
	p4 =	sgt.u32 @!p0 s8, $0x1F  }
0x96: {  	s0 =	simm.s32 @p0 $0x1;
	s12 =	sshra.s32 @!p6 s26, $0x2;
	s18 =	simm.s32 @!p6 $0x80  }
0x97: {  	[smem:$0x7F4] =	sst s0;
	s0 =	simm.s32 @!p4 $0x0;
	s22 =	sadd.s32 @!p6 $0x200, s12  }
0x98: {  	s0 =	simm.s32 @p4 $0x1;
	p4 =	por !p4, p0;
	p0 =	por p6, p6  }
0x99: {  	[smem:$0x7EF] =	sst s0;
	s0 =	simm.s32 @!p4 $0x0;
	s29 =	sshra.s32 @!p4 s26, $0x2  }
0x9a: {  	s31 =	simm.s32 @!p0 $0x168D0;
	p0 =	slt.u32 @!p5 s8, $0x20;
	s0 =	simm.s32 @p4 $0x1  }
0x9b: {  	p4 =	sge.u32 s6, s9;
	[smem:$0x7F7] =	sst s0;
	s0 =	simm.s32 @!p6 $0x0  }
0x9c: {  	_ =	swait.ge @!p2 [sflag:s17], $0x4000;
	s0 =	simm.s32 @p6 $0x1;
	p6 =	por !p3, p5  }
0x9d: {  	p3 =	slt.u32 @!p4 s8, $0x21;
	[smem:$0x7ED] =	sst s0;
	s0 =	simm.s32 @!p0 $0x0  }
0x9e: {  	[sflag:s17] =	ssyncset.done @!p2 $0x0;
	s30 =	simm.s32 @!p6 $0x168D0;
	s0 =	simm.s32 @p0 $0x1  }
0x9f: {  	[sflag:s17] =	ssyncadd.s32 @!p2 $0xFFFFC000;
	p0 =	sge.u32 @!p1 s13, s9;
	s17 =	simm.s32 @!p6 $0x80  }
0xa0: {  	p2 =	sge.u32 s13, s9;
	[smem:$0x7F1] =	sst s0;
	s0 =	simm.s32 @!p0 $0x0  }
0xa1: {  	s13 =	sshra.s32 @!p6 s26, $0x2;
	s1 =	simm.s32 @!p2 $0x0;
	s0 =	simm.s32 @p0 $0x1  }
0xa2: {  	s13 =	sadd.s32 @!p6 s13, s14;
	s1 =	simm.s32 @p2 $0x1;
	[smem:$0x7EA] =	sst s0  }
0xa3: {  	p0 =	sgt.u32 @!p2 s8, $0x1F;
	s13 =	sadd.s32 @!p6 $0xFFFFA080, s13;
	[smem:$0x7F6] =	sst s1  }
0xa4: {  	[tilespmem:s30], [sflag:$0x5] =	stream.indirect.gather @!p6 [spmem:s3], $0x80, s13, s17, $0xb8;
	[tilespmem:$0x1E8D0] =	vst v63  }
0xa5: {  	p3 =	por !p3, p4;
	s0 =	simm.s32 @!p0 $0x0;
	s13 =	sld [smem:$0x7F7]  }
0xa6: {  	s1 =	simm.s32 @!p3 $0x0;
	s0 =	simm.s32 @p0 $0x1;
	s21 =	sld [smem:$0x7EA]  }
0xa7: {  	s4 =	sadd.s32 @!p4 s10, s15;
	s1 =	simm.s32 @p3 $0x1;
	[smem:$0x7EC] =	sst s0  }
0xa8: {  	s4 =	sadd.s32 @!p4 $0xC350, s4;
	[smem:$0x7EB] =	sst s1  }
0xa9: {  	s17 =	sadd.s32 $0xFFFFFFF8, s28;
	p0 =	por !p0, p2;
	s24 =	sld [smem:$0x7EC]  }
0xaa: {  	s0 =	sadd.s32 @!p4 s10, s16;
	s6 =	sld [smem:$0x7EB];
	p3 =	seq.s32 s21, $0x1  }
0xab: {  	s0 =	sadd.s32 @!p4 $0xFFFF9E80, s0;
	s21 =	sld [smem:$0x7ED];
	p1 =	por p3, p1  }
0xac: {  	s1 =	simm.s32 @!p1 $0x0;
	p3 =	seq.s32 s24, $0x1;
	s24 =	simm.s32 @!p4 $0x1  }
0xad: {  	s1 =	simm.s32 @p1 $0x1;
	p1 =	seq.s32 s6, $0x1;
	p2 =	por p3, p2  }
0xae: {  	s4 =	smov.u32 @p1 s0;
	s6 =	simm.s32 @!p2 $0x0;
	p1 =	seq.s32 s13, $0x1  }
0xaf: {  	[smem:$0x7F0] =	sst s1;
	s6 =	simm.s32 @p2 $0x1;
	s13 =	sadd.s32 @!p1 s29, s14  }
0xb0: {  	[smem:$0x7F2] =	sst s6;
	s13 =	sadd.s32 @!p1 $0xFFFFA180, s13;
	p1 =	seq.s32 s21, $0x1  }
0xb1: {  	[tilespmem:s31], [sflag:$0x5] =	stream.indirect.gather @!p1 [spmem:s5], $0x80, s22, s18, $0xb8;
	[tilespmem:$0x1E8D0] =	vst v63  }
0xb2: {  	p6 =	sge.u32 s17, s9;
	s1 =	sshra.s32 @!p0 s26, $0x2;
	_ =	swait.ge @!p4 [sflag:s24], $0x4000  }
0xb3: {  	s0 =	simm.s32 @!p4 $0x68D0;
	s4 =	sshll.u32 @!p4 s4, $0x4;
	s18 =	sld [smem:$0x7F0]  }
0xb4: {  	s29 =	simm.s32 @!p4 $0x0;
	[sflag:s24] =	ssyncset.done @!p4 $0x0;
	s31 =	sld [smem:$0x7EE]  }
0xb5: {  	s4 =	sadd.s32 @!p4 s2, s4;
	s21 =	sld [smem:$0x7F3];
	[sflag:s24] =	ssyncadd.s32 @!p4 $0xFFFFC000  }
0xb6: {  	[hbm4b:s4+s29] =	stream.linear.scatter @!p4 [tilespmem:s0], [sflag:$0x7], $0x4000, $0x38;
	[tilespmem:$0x1E8D0] =	vst v63  }
0xb7: {  	s24 =	sld [smem:$0x7EF];
	p1 =	seq.s32 s18, $0x1;
	p3 =	seq.s32 s31, $0x1  }
0xb8: {  	s18 =	simm.s32 @!p1 $0xC;
	p1 =	seq.s32 s21, $0x1;
	s21 =	sld [smem:$0x7F4]  }
0xb9: {  	s30 =	sshra.s32 @!p2 s26, $0x2;
	s1 =	sadd.s32 @!p0 s1, s14;
	p1 =	por !p3, p1  }
0xba: {  	s1 =	sadd.s32 @!p0 $0xFFFFA100, s1;
	s22 =	simm.s32 @!p2 $0x1A8D0;
	s6 =	simm.s32 @!p1 $0x0  }
0xbb: {  	p3 =	seq.s32 s24, $0x1;
	s6 =	simm.s32 @p1 $0x1;
	p1 =	seq.s32 s21, $0x1  }
0xbc: {  	p2 =	slt.u32 @!p6 s17, $0xC3;
	s4 =	sld [smem:$0x7F0];
	p1 =	por p3, p1  }
0xbd: {  	s17 =	sadd.s32 @!p6 s10, s15;
	[smem:$0x7F5] =	sst s6;
	s6 =	simm.s32 @!p1 $0x0  }
0xbe: {  	s0 =	simm.s32 @!p0 $0x1A8D0;
	s24 =	sadd.s32 @!p6 s10, s16;
	s6 =	simm.s32 @p1 $0x1  }
0xbf: {  	p3 =	por !p2, p6;
	p2 =	seq.s32 s4, $0x1;
	[smem:$0x7F8] =	sst s6  }
0xc0: {  	s24 =	sadd.s32 @!p6 $0xFFFF9F00, s24;
	s6 =	sshra.s32 @!p1 s26, $0x2;
	_ =	swait.ge @!p2 [sflag:s18], $0x4000  }
0xc1: {  	s29 =	sadd.s32 @!p1 $0x300, s6;
	s6 =	sadd.s32 @!p6 $0xC3D0, s17;
	[sflag:s18] =	ssyncset.done @!p2 $0x0  }
0xc2: {  	s4 =	simm.s32 @!p0 $0x80;
	s6 =	smov.u32 @p3 s24;
	[sflag:s18] =	ssyncadd.s32 @!p2 $0xFFFFC000  }
0xc3: {  	[tilespmem:s0], [sflag:$0x6] =	stream.indirect.gather @!p0 [spmem:s3], $0x80, s1, s4, $0xb8;
	[tilespmem:$0x1E8D0] =	vst v63  }
0xc4: {  	s0 =	sshll.u32 @!p6 s6, $0x4;
	s6 =	sld [smem:$0x7F1];
	_ =	sdelay $0x2  }
0xc5: {  	s12 =	sadd.s32 @!p5 s10, s16;
	s31 =	sadd.s32 @!p5 s10, s15;
	p2 =	seq.s32 s6, $0x1  }
0xc6: {  	s12 =	sadd.s32 @!p5 $0xFFFFA080, s12;
	s1 =	sadd.s32 @!p5 $0xC550, s31;
	p1 =	por !p2, p5  }
0xc7: {  	s1 =	smov.u32 @p1 s12;
	s12 =	sld [smem:$0x7F2];
	_ =	sdelay $0x2  }
0xc8: {  	s21 =	simm.s32 @!p6 $0x2;
	p0 =	seq.s32 s12, $0x1  }
0xc9: {  	s4 =	simm.s32 @!p6 $0xA8D0;
	s6 =	sadd.s32 @!p0 $0x280, s30;
	s12 =	simm.s32 @!p0 $0x80  }
0xca: {  	[tilespmem:s22], [sflag:$0x6] =	stream.indirect.gather @!p0 [spmem:s5], $0x80, s6, s12, $0xb8;
	[tilespmem:$0x1E8D0] =	vst v63  }
0xcb: {  	s31 =	sadd.s32 $0xFFFFFFFE, s28;
	s0 =	sadd.s32 @!p6 s2, s0;
	_ =	swait.ge @!p6 [sflag:s21], $0x4000  }
0xcc: {  	s1 =	sshll.u32 @!p5 s1, $0x4;
	s6 =	simm.s32 @!p5 $0x0;
	s17 =	sld [smem:$0x7F3]  }
0xcd: {  	s6 =	simm.s32 @p5 $0x1;
	[sflag:s21] =	ssyncset.done @!p6 $0x0;
	s18 =	sld [smem:$0x7F4]  }
0xce: {  	[smem:$0x7FB] =	sst s6;
	s6 =	simm.s32 @!p6 $0x0;
	[sflag:s21] =	ssyncadd.s32 @!p6 $0xFFFFC000  }
0xcf: {  	[hbm4b:s0+s6] =	stream.linear.scatter @!p6 [tilespmem:s4], [sflag:$0x8], $0x4000, $0x38;
	[tilespmem:$0x1E8D0] =	vst v63  }
0xd0: {  	s12 =	sadd.s32 @!p5 s2, s1;
	p0 =	seq.s32 s17, $0x1;
	p2 =	seq.s32 s18, $0x1  }
0xd1: {  	s17 =	simm.s32 @!p0 $0x0;
	s1 =	simm.s32 @!p2 $0x7;
	s18 =	simm.s32 @!p0 $0x128D0  }
0xd2: {  	s21 =	sadd.s32 @!p0 s10, s15;
	s4 =	sadd.s32 @!p0 s10, s16;
	_ =	swait.ge @!p2 [sflag:s1], $0x4000  }
0xd3: {  	p5 =	por p0, p0;
	s0 =	sadd.s32 @!p0 $0xC4D0, s21;
	s22 =	sld [smem:$0x7F5]  }
0xd4: {  	s21 =	sadd.s32 $0xFFFFFFF9, s28;
	[sflag:s1] =	ssyncset.done @!p2 $0x0;
	s24 =	sld [smem:$0x7F6]  }
0xd5: {  	s30 =	sld [smem:$0x7F7];
	[sflag:s1] =	ssyncadd.s32 @!p2 $0xFFFFC000;
	p2 =	sge.u32 s21, s9  }
0xd6: {  	s4 =	sadd.s32 @!p0 $0xFFFFA000, s4;
	s1 =	sadd.s32 @!p2 s10, s16;
	p3 =	slt.u32 @!p2 s8, $0x21  }
0xd7: {  	s21 =	sadd.s32 @!p2 s10, s15;
	p0 =	seq.s32 s22, $0x1;
	p1 =	seq.s32 s24, $0x1  }
0xd8: {  	p6 =	seq.s32 s30, $0x1;
	s21 =	sadd.s32 @!p2 $0xC450, s21;
	s1 =	sadd.s32 @!p2 $0xFFFF9F80, s1  }
0xd9: {  	p3 =	por !p3, p2;
	s24 =	simm.s32 @!p2 $0x3;
	s30 =	sld [smem:$0x7F8]  }
0xda: {  	s0 =	smov.u32 @p0 s4;
	s4 =	simm.s32 @!p2 $0xE8D0;
	p0 =	slt.u32 @!p1 s8, $0x20  }
0xdb: {  	s21 =	smov.u32 @p3 s1;
	p3 =	sge.u32 s31, s9;
	s6 =	simm.s32 @!p0 $0x0  }
0xdc: {  	s0 =	sshll.u32 @!p5 s0, $0x4;
	s1 =	sshll.u32 @!p2 s21, $0x4;
	p4 =	sgt.u32 @!p3 s8, $0x1F  }
0xdd: {  	s6 =	simm.s32 @p0 $0x1;
	s22 =	sadd.s32 @!p5 s2, s0;
	s0 =	simm.s32 @!p6 $0x80  }
0xde: {  	p0 =	seq.s32 s30, $0x1;
	[smem:$0x7F9] =	sst s6;
	s6 =	simm.s32 @!p6 $0x68D0  }
0xdf: {  	[tilespmem:s6], [sflag:$0x1] =	stream.indirect.gather @!p6 [spmem:s3], $0x80, s13, s0, $0xb8;
	[tilespmem:$0x1E8D0] =	vst v63  }
0xe0: {  	s1 =	sadd.s32 @!p2 s2, s1;
	s21 =	simm.s32 @!p0 $0x80;
	s30 =	simm.s32 @!p0 $0x68D0  }
0xe1: {  	[tilespmem:s30], [sflag:$0x1] =	stream.indirect.gather @!p0 [spmem:s5], $0x80, s29, s21, $0xb8;
	[tilespmem:$0x1E8D0] =	vst v63  }
0xe2: {  	s0 =	simm.s32 @!p2 $0x0;
	p6 =	por !p4, p3;
	_ =	swait.ge @!p2 [sflag:s24], $0x4000  }
0xe3: {  	p4 =	por p4, p3;
	s6 =	sshra.s32 @!p6 s26, $0x2;
	[sflag:s24] =	ssyncset.done @!p2 $0x0  }
0xe4: {  	s13 =	sshra.s32 @!p4 s26, $0x2;
	s21 =	simm.s32 @!p3 $0x8;
	[sflag:s24] =	ssyncadd.s32 @!p2 $0xFFFFC000  }
0xe5: {  	[hbm4b:s1+s0] =	stream.linear.scatter @!p2 [tilespmem:s4], [sflag:$0x9], $0x4000, $0x38;
	[tilespmem:$0x1E8D0] =	vst v63  }
0xe6: {  	s6 =	sadd.s32 @!p6 s6, s14;
	s30 =	sadd.s32 @!p4 $0x380, s13;
	_ =	swait.ge @!p3 [sflag:s21], $0x4000  }
0xe7: {  	s13 =	simm.s32 @!p6 $0x80;
	s29 =	simm.s32 @!p5 $0x4;
	[sflag:s21] =	ssyncset.done @!p3 $0x0  }
0xe8: {  	s6 =	sadd.s32 @!p6 $0xFFFFA200, s6;
	s4 =	simm.s32 @!p6 $0xA8D0;
	[sflag:s21] =	ssyncadd.s32 @!p3 $0xFFFFC000  }
0xe9: {  	[tilespmem:s4], [sflag:$0x2] =	stream.indirect.gather @!p6 [spmem:s3], $0x80, s6, s13, $0xb8;
	[tilespmem:$0x1E8D0] =	vst v63  }
0xea: {  	s0 =	simm.s32 @!p4 $0x80;
	s1 =	simm.s32 @!p4 $0xA8D0;
	s31 =	sld [smem:$0x7F9]  }
0xeb: {  	[tilespmem:s1], [sflag:$0x2] =	stream.indirect.gather @!p4 [spmem:s5], $0x80, s30, s0, $0xb8;
	[tilespmem:$0x1E8D0] =	vst v63  }
0xec: {  	_ =	swait.ge @!p5 [sflag:s29], $0x4000  }
0xed: {  	p3 =	seq.s32 s31, $0x1;
	s31 =	sld [smem:$0x7FA];
	_ =	sdelay $0x2  }
0xee: {  	p2 =	seq.s32 s31, $0x1  }
.Ltmp0:
0xef: {  	_ = 	snop;
	(pc) =	sbr.rel @p2 .LBB2_2-.Ltmp0, $4  }
0xf0: {  	s7 =	sadd.s32 $0x300, s7;
	s23 =	sadd.s32 $0x1, s23  }
0xf1: {  	s24 =	sadd.s32 @!p1 s10, s15;
	p6 =	por p1, p1;
	s4 =	sadd.s32 @!p1 s10, s16  }
0xf2: {  	s11 =	sadd.s32 $0xFFFFFFFF, s28;
	s13 =	sadd.s32 @!p1 $0xC5D0, s24;
	s10 =	sadd.s32 @!p6 $0xFFFFA100, s4  }
0xf3: {  	p0 =	por !p3, p1;
	p4 =	por p5, p5;
	p1 =	sge.u32 s11, s9  }
0xf4: {  	[sflag:s29] =	ssyncset.done @!p4 $0x0  }
0xf5: {  	s0 =	simm.s32 @!p1 $0x9;
	p2 =	sgt.u32 @!p1 s8, $0x1F;
	[sflag:s29] =	ssyncadd.s32 @!p4 $0xFFFFC000  }
0xf6: {  	[hbm4b:s22+s17] =	stream.linear.scatter @!p4 [tilespmem:s18], [sflag:$0xA], $0x4000, $0x38;
	[tilespmem:$0x1E8D0] =	vst v63  }
0xf7: {  	p3 =	por !p2, p1;
	_ =	swait.ge @!p1 [sflag:s0], $0x4000  }
0xf8: {  	p2 =	por p2, p1;
	s1 =	sshra.s32 @!p3 s26, $0x2;
	[sflag:s0] =	ssyncset.done @!p1 $0x0  }
0xf9: {  	s4 =	simm.s32 @!p3 $0x80;
	[sflag:s0] =	ssyncadd.s32 @!p1 $0xFFFFC000;
	s0 =	sadd.s32 @!p3 s1, s14  }
0xfa: {  	s11 =	sld [smem:$0x7FB];
	s1 =	simm.s32 @!p3 $0xE8D0;
	s0 =	sadd.s32 @!p3 $0xFFFFA280, s0  }
0xfb: {  	[tilespmem:s1], [sflag:$0x3] =	stream.indirect.gather @!p3 [spmem:s3], $0x80, s0, s4, $0xb8;
	[tilespmem:$0x1E8D0] =	vst v63  }
0xfc: {  	s0 =	sshra.s32 @!p2 s26, $0x2;
	s1 =	simm.s32 @!p2 $0x80  }
0xfd: {  	s4 =	simm.s32 @!p2 $0xE8D0;
	p3 =	seq.s32 s11, $0x1;
	s0 =	sadd.s32 @!p2 $0x400, s0  }
0xfe: {  	[tilespmem:s4], [sflag:$0x3] =	stream.indirect.gather @!p2 [spmem:s5], $0x80, s0, s1, $0xb8;
	[tilespmem:$0x1E8D0] =	vst v63  }
0xff: {  	s0 =	simm.s32 @!p3 $0x5  }
0x100: {  	_ =	swait.ge @!p3 [sflag:s0], $0x4000  }
0x101: {  	p1 =	sge.u32 s28, s9;
	[sflag:s0] =	ssyncset.done @!p3 $0x0  }
0x102: {  	s1 =	simm.s32 @!p3 $0x168D0;
	[sflag:s0] =	ssyncadd.s32 @!p3 $0xFFFFC000;
	s0 =	simm.s32 @!p3 $0x0  }
0x103: {  	[hbm4b:s12+s0] =	stream.linear.scatter @!p3 [tilespmem:s1], [sflag:$0xB], $0x4000, $0x38;
	[tilespmem:$0x1E8D0] =	vst v63  }
0x104: {  	p2 =	sgt.u32 @!p1 s8, $0x1E;
	s0 =	simm.s32 @!p1 $0xA  }
0x105: {  	p3 =	por !p2, p1;
	_ =	swait.ge @!p1 [sflag:s0], $0x4000  }
0x106: {  	s1 =	sshra.s32 @!p3 s26, $0x2;
	[sflag:s0] =	ssyncset.done @!p1 $0x0  }
0x107: {  	s4 =	simm.s32 @!p3 $0x128D0;
	s1 =	sadd.s32 @!p3 s1, s14;
	[sflag:s0] =	ssyncadd.s32 @!p1 $0xFFFFC000  }
0x108: {  	s0 =	sadd.s32 @!p3 $0xFFFFA300, s1;
	s1 =	simm.s32 @!p3 $0x80;
	p1 =	por p2, p1  }
0x109: {  	[tilespmem:s4], [sflag:$0x4] =	stream.indirect.gather @!p3 [spmem:s3], $0x80, s0, s1, $0xb8;
	[tilespmem:$0x1E8D0] =	vst v63  }
0x10a: {  	s0 =	sshra.s32 @!p1 s26, $0x2  }
0x10b: {  	s1 =	simm.s32 @!p1 $0x80;
	s4 =	simm.s32 @!p1 $0x128D0;
	s0 =	sadd.s32 @!p1 $0x480, s0  }
0x10c: {  	[tilespmem:s4], [sflag:$0x4] =	stream.indirect.gather @!p1 [spmem:s5], $0x80, s0, s1, $0xb8;
	[tilespmem:$0x1E8D0] =	vst v63  }
0x10d: {  	s0 =	simm.s32 @!p6 $0x6  }
0x10e: {  	s13 =	smov.u32 @p0 s10;
	s6 =	simm.s32 @!p6 $0x1A8D0;
	_ =	swait.ge @!p6 [sflag:s0], $0x4000  }
0x10f: {  	s17 =	simm.s32 $0x7;
	s4 =	sshll.u32 @!p6 s13, $0x4;
	[sflag:s0] =	ssyncset.done @!p6 $0x0  }
0x110: {  	s1 =	simm.s32 @!p6 $0x0;
	[sflag:s0] =	ssyncadd.s32 @!p6 $0xFFFFC000;
	s0 =	sadd.s32 @!p6 s2, s4  }
0x111: {  	[hbm4b:s0+s1] =	stream.linear.scatter @!p6 [tilespmem:s6], [sflag:$0xC], $0x4000, $0x38;
	[tilespmem:$0x1E8D0] =	vst v63  }
0x112: {  	_ =	swait.ge [sflag:s17], $0x4000  }
0x113: {  	[sflag:s17] =	ssyncset.done $0x0  }
0x114: {  	s18 =	simm.s32 $0x8;
	[sflag:s17] =	ssyncadd.s32 $0xFFFFC000  }
0x115: {  	_ =	swait.ge [sflag:s18], $0x4000  }
0x116: {  	[sflag:s18] =	ssyncset.done $0x0  }
0x117: {  	s20 =	simm.s32 $0x9;
	[sflag:s18] =	ssyncadd.s32 $0xFFFFC000  }
0x118: {  	_ =	swait.ge [sflag:s20], $0x4000  }
0x119: {  	[sflag:s20] =	ssyncset.done $0x0  }
0x11a: {  	s21 =	simm.s32 $0xA;
	[sflag:s20] =	ssyncadd.s32 $0xFFFFC000  }
0x11b: {  	_ =	swait.ge [sflag:s21], $0x4000  }
0x11c: {  	[sflag:s21] =	ssyncset.done $0x0  }
0x11d: {  	s22 =	simm.s32 $0xB;
	[sflag:s21] =	ssyncadd.s32 $0xFFFFC000  }
0x11e: {  	_ =	swait.ge [sflag:s22], $0x4000  }
0x11f: {  	[sflag:s22] =	ssyncset.done $0x0  }
0x120: {  	s23 =	simm.s32 $0xC;
	[sflag:s22] =	ssyncadd.s32 $0xFFFFC000  }
0x121: {  	_ =	swait.ge [sflag:s23], $0x4000  }
0x122: {  	s10 =	simm.s32 $0x68D0;
	s24 =	simm.s32 $0x28;
	[sflag:s23] =	ssyncset.done $0x0  }
0x123: {  	s28 =	simm.s32 $0x1;
	s26 =	simm.s32 $0x6180;
	[sflag:s23] =	ssyncadd.s32 $0xFFFFC000  }
0x124: {  	[tilespmem:s10], [sflag:$0x1] =	stream.indirect.gather [spmem:s5], $0x80, s26, s24, $0xb8;
	[tilespmem:$0x1E8D0] =	vst v63  }
0x125: {  	_ =	swait.ge [sflag:s28], $0x1400  }
0x126: {  	[sflag:s28] =	ssyncset.done $0x0  }
0x127: {  	s17 =	simm.s32 $0x0;
	s29 =	rddreg [dreg:$0xa];
	[sflag:s28] =	ssyncadd.s32 $0xFFFFEC00  }
0x128: {  	[hbm4b:s29+s17] =	stream.linear.scatter [tilespmem:s10], [sflag:$0xD], $0x1400, $0x38;
	[tilespmem:$0x1E8D0] =	vst v63  }
0x129: {  	_ =	swait.ge [sflag:s19], $0x1400  }
0x12a: {  	s30 =	sld [smem:$0x7FD];
	_ =	sdelay $0x2  }
0x12b: {  	[sflag:s19] =	ssyncset.done $0x0;
	s4 =	rddreg [dreg:$0xb];
	p1 =	seq.s32 s30, $0x1  }
0x12c: {  	[sflag:s19] =	ssyncadd.s32 $0xFFFFEC00;
	s0 =	simm.s32 @!p1 $0x0;
	s1 =	simm.s32 @!p1 $0x6200  }
0x12d: {  	[tilespmem:s1], [sflag:$0xD] =	stream.linear.gather @!p1 [hbm4b:s4+s0], $0x50, $0x38;
	[tilespmem:$0x1E8D0] =	vst v63  }
0x12e: {  	s4 =	simm.s32 @!p1 $0xD  }
0x12f: {  	_ =	swait.ge @!p1 [sflag:s4], $0x50  }
0x130: {  	[sflag:s4] =	ssyncset.done @!p1 $0x0  }
0x131: {  	s6 =	simm.s32 @!p1 $0x50;
	s7 =	simm.s32 @!p1 $0x68D0;
	[sflag:s4] =	ssyncadd.s32 @!p1 $0xFFFFFFB0  }
0x132: {  	[tilespmem:s7], [sflag:$0x1] =	stream.indirect.gather @!p1 [spmem:s3], $0x80, s1, s6, $0xb8;
	[tilespmem:$0x1E8D0] =	vst v63  }
0x133: {  	s1 =	simm.s32 @!p1 $0x1  }
0x134: {  	_ =	swait.ge @!p1 [sflag:s1], $0x2800  }
0x135: {  	[sflag:s1] =	ssyncset.done @!p1 $0x0  }
0x136: {  	[sflag:s1] =	ssyncadd.s32 @!p1 $0xFFFFD800;
	s1 =	rddreg [dreg:$0xc]  }
0x137: {  	[hbm4b:s1+s0] =	stream.linear.scatter @!p1 [tilespmem:s7], [sflag:$0xD], $0x2800, $0x38;
	[tilespmem:$0x1E8D0] =	vst v63  }
0x138: {  	_ =	swait.ge @!p1 [sflag:s4], $0x2800  }
0x139: {  	s25 =	sadd.s32 $0x1, s25;
	s31 =	rddreg [dreg:$0xd]  }
0x13a: {  	p0 =	sne.s32 s25, s31  }
.Ltmp1:
0x13b: {  	_ = 	snop;
	(pc) =	sbr.rel @p0 .LBB2_1-.Ltmp1, $3  }
0x13c: {  	_ =	sdelay $0x1  }
0x13d: {  	[sflag:s4] =	ssyncset.done @!p1 $0x0  }
0x13e: {  	[sflag:s4] =	ssyncadd.s32 @!p1 $0xFFFFD800  }
0x13f: {  	_ =	sfence.sel $0x180000  }
0x140: {  	[bflag:$0x0] =	sbarrier.arrive $0xFFFF  }
0x141: {  	_ =	strace $0x90000047  }
0x142: {  	[bflag:$0x2] =	sbarrier.arrive $0xFFFF  }
0x143: {  	s1 =	sld [smem:$0x7FC];
	_ =	sdelay $0x2  }
0x144: {  	s0 =	rddreg [dreg:$0x7];
	p0 =	seq.s32 s1, $0x1  }
0x145: {  	s0 =	sadd.s32 @!p0 $0x100000, s0  }
0x146: {  	[sflag:s0] =	ssyncadd.tile.s32 @!p0 $0x1;
	_ =	shalt  }
.Lfunc_end2:
_tile_overlayer_lowered:
.L_overlay_start_2:
0x147: {  	(tag) =	ssettag $0x2  }
0x148: {  	s0 =	rddreg [dreg:$0x0];
	s2 =	stileid.u32  }
0x149: {  	s1 =	rddreg [dreg:$0x1];
	p0 =	sne.s32 s2, $0x0  }
0x14a: {  	s3 =	rddreg [dreg:$0x2];
	[bflag:$0x3] =	sbarrier.arrive $0xFFFF;
	s2 =	simm.s32 @!p0 $0x1C0D  }
0x14b: {  	[timem:s3], [sflag:s2] =	dma.local @!p0 [hbm:s0], s1  }
0x14c: {  	s0 =	simm.s32 @!p0 $0xD  }
0x14d: {  	_ =	swait.ge @!p0 [sflag:s0], s1  }
0x14e: {  	s1 =	ssub.s32 @!p0 $0x0, s1;
	[sflag:s0] =	ssyncset.done @!p0 $0x0  }
0x14f: {  	[sflag:s0] =	ssyncadd.s32 @!p0 s1  }
0x150: {  	[bflag:$0x3] =	sbarrier.arrive $0xFFFF  }
0x151: {  	_ =	shalt  }

</sc_bundles>
